<compile_context>
chip_gen: v7x
topology: tpu7x:2x2x1
jax: 0.10.2.dev20260603
libtpu: 0.0.44.dev20260713+nightly
codegen_flags: <defaults>
</compile_context>

<pallas_src>
import functools

import jax
import jax.numpy as jnp
from jax import lax
from jax.experimental import pallas as pl
from jax.experimental.pallas import tpu as pltpu
from jax.experimental.pallas import tpu_sc as plsc

DIM = 64
CHUNK = 128
NC = 2
NS = 16
NW = NC * NS
N_BUF = 8


@functools.cache
def _make_kernel(B):
    assert B % (NW * CHUNK * N_BUF) == 0
    chunks_per_w = B // (NW * CHUNK)
    n_outer = chunks_per_w // N_BUF
    mesh = plsc.VectorSubcoreMesh(core_axis_name="c", subcore_axis_name="s")

    @functools.partial(
        pl.kernel,
        mesh=mesh,
        out_type=jax.ShapeDtypeStruct((B, DIM), jnp.float32),
        scratch_types=[
            pltpu.VMEM((chunks_per_w, CHUNK), jnp.int32),
            pltpu.VMEM((N_BUF, CHUNK, DIM), jnp.float32),
        ] + [pltpu.SemaphoreType.DMA] * (2 * N_BUF),
        compiler_params=pltpu.CompilerParams(use_tc_tiling_on_sc=False),
    )
    def gather_kernel(idx_hbm, table_hbm, out_hbm, idx_v, rows_v, *sems):
        gsem, wsem = sems[:N_BUF], sems[N_BUF:]
        wid = lax.axis_index("s") * NC + lax.axis_index("c")
        chunk_base = wid * chunks_per_w
        pltpu.sync_copy(idx_hbm.at[pl.ds(chunk_base, chunks_per_w)], idx_v)
        row_base = chunk_base * CHUNK

        def out_slice(j):
            return out_hbm.at[pl.ds(row_base + j * CHUNK, CHUNK)]

        for b in range(N_BUF):
            pltpu.async_copy(table_hbm.at[idx_v.at[b]], rows_v.at[b], gsem[b])

        def body(i, carry):
            j0 = i * N_BUF
            for b in range(N_BUF):
                pltpu.make_async_copy(
                    table_hbm.at[idx_v.at[j0 + b]], rows_v.at[b], gsem[b]
                ).wait()
                pltpu.async_copy(rows_v.at[b], out_slice(j0 + b), wsem[b])

            @pl.when(i < n_outer - 1)
            def _refill():
                for b in range(N_BUF):
                    pltpu.make_async_copy(
                        rows_v.at[b], out_slice(j0 + b), wsem[b]
                    ).wait()
                    pltpu.async_copy(
                        table_hbm.at[idx_v.at[j0 + N_BUF + b]], rows_v.at[b], gsem[b]
                    )

            return carry

        lax.fori_loop(0, n_outer, body, 0)

        for b in range(N_BUF):
            j = chunks_per_w - N_BUF + b
            pltpu.make_async_copy(rows_v.at[b], out_slice(j), wsem[b]).wait()

    return gather_kernel


def kernel(edges, weight):
    nr, nc = edges.shape
    B = nr * nc
    idx = edges.reshape(B // CHUNK, CHUNK).astype(jnp.int32)
    out = _make_kernel(B)(idx, weight)
    return out.reshape(nr, nc, DIM)

# --- scband reference (transcript-rebuilt; emitter-appended) ---
"""Pipeline reference for scband-hyperbolic-embedding-4071628997237 (READ-ONLY COPY).

The authoritative reference and input builder live on the scoring server;
editing this copy changes nothing except your own understanding.
"""

import jax, jax.numpy as jnp
import numpy as np

NUM_NODES = 1000000
DIM = 64
EPS = 1e-05


def _poincare_normalize(u):
    norm = jnp.linalg.norm(u, axis=-1, keepdims=True)
    max_norm = 1 - EPS
    scale = jnp.where(norm > max_norm, max_norm / (norm + EPS), jnp.ones_like(norm))
    return u * scale


def setup_inputs(seed: int = 0) -> dict:
    key = jax.random.key(seed)
    k1, k2 = jax.random.split(key)
    # Embedding table initialized uniform(-0.001, 0.001) then Poincare-normalized,
    # matching HyperbolicEmbedding.__init__.
    weight = jax.random.uniform(k1, (NUM_NODES, DIM), minval=-0.001, maxval=0.001, dtype=jnp.float32)
    weight = _poincare_normalize(weight)
    edges = jax.random.randint(k2, (16384, 50), 0, NUM_NODES, dtype=jnp.int64) if jax.config.jax_enable_x64 else jax.random.randint(k2, (16384, 50), 0, NUM_NODES, dtype=jnp.int32)
    return {"edges": edges, "weight": weight}


def reference(edges, weight):
    # forward(edges) -> self.lt(edges): a plain embedding gather
    return jnp.take(weight, edges, axis=0)

if __name__ == "__main__":
    import jax
    _d = setup_inputs()
    print(jax.jit(kernel)(*tuple(_d.values())))

</pallas_src>

<mosaic_0001>
#map = affine_map<(d0, d1) -> (0, 0)>
module attributes {stable_mosaic.version = 14 : i64} {
  func.func @gather_kernel(%arg0: i32, %arg1: i32, %arg2: memref<6400x128xi32, #tpu.memory_space<hbm>>, %arg3: memref<1000000x64xf32, #tpu.memory_space<hbm>>, %arg4: memref<819200x64xf32, #tpu.memory_space<hbm>>, %arg5: memref<200x128xi32, #tpu.memory_space<vmem>>, %arg6: memref<8x128x64xf32, #tpu.memory_space<vmem>>, %arg7: memref<!tpu.dma_semaphore, #tpu.memory_space<semaphore_mem>>, %arg8: memref<!tpu.dma_semaphore, #tpu.memory_space<semaphore_mem>>, %arg9: memref<!tpu.dma_semaphore, #tpu.memory_space<semaphore_mem>>, %arg10: memref<!tpu.dma_semaphore, #tpu.memory_space<semaphore_mem>>, %arg11: memref<!tpu.dma_semaphore, #tpu.memory_space<semaphore_mem>>, %arg12: memref<!tpu.dma_semaphore, #tpu.memory_space<semaphore_mem>>, %arg13: memref<!tpu.dma_semaphore, #tpu.memory_space<semaphore_mem>>, %arg14: memref<!tpu.dma_semaphore, #tpu.memory_space<semaphore_mem>>, %arg15: memref<!tpu.dma_semaphore, #tpu.memory_space<semaphore_mem>>, %arg16: memref<!tpu.dma_semaphore, #tpu.memory_space<semaphore_mem>>, %arg17: memref<!tpu.dma_semaphore, #tpu.memory_space<semaphore_mem>>, %arg18: memref<!tpu.dma_semaphore, #tpu.memory_space<semaphore_mem>>, %arg19: memref<!tpu.dma_semaphore, #tpu.memory_space<semaphore_mem>>, %arg20: memref<!tpu.dma_semaphore, #tpu.memory_space<semaphore_mem>>, %arg21: memref<!tpu.dma_semaphore, #tpu.memory_space<semaphore_mem>>, %arg22: memref<!tpu.dma_semaphore, #tpu.memory_space<semaphore_mem>>) attributes {dimension_semantics = [#tpu.dimension_semantics<core_parallel>, #tpu.dimension_semantics<subcore_parallel>], iteration_bounds = array<i64: 2, 16>, scalar_prefetch = 0 : i64, scratch_operands = 18 : i64, tpu.core_type = #tpu.core_type<sc_vector_subcore>, window_params = [{transform_indices = #map}, {transform_indices = #map}, {transform_indices = #map}]} {
    %mul3A = arith.constant 2 : i32
    %mul3A_0 = arith.muli %arg1, %mul3A : i32
    %add3A = arith.addi %mul3A_0, %arg0 : i32
    %mul3A_1 = arith.constant 200 : i32
    %mul3A_2 = arith.muli %add3A, %mul3A_1 : i32
    "tpu.region"() ({
      %run_scoped3A = tpu.sem_alloc : memref<!tpu.dma_semaphore, #tpu.memory_space<semaphore_mem>>
      %dma_start3A_224 = arith.constant 0 : i32
      %dma_start3A_225 = tpu.memref_slice %arg2[%mul3A_2, %dma_start3A_224] : memref<6400x128xi32, #tpu.memory_space<hbm>> -> memref<200x128xi32, #tpu.memory_space<hbm>>
      %dma_start3A_226 = arith.constant 0 : i32
      %dma_start3A_227 = tpu.memref_slice %arg2[%mul3A_2, %dma_start3A_226] : memref<6400x128xi32, #tpu.memory_space<hbm>> -> memref<200x128xi32, #tpu.memory_space<hbm>>
      tpu.enqueue_dma source(%dma_start3A_227 : memref<200x128xi32, #tpu.memory_space<hbm>>) target(%arg5 : memref<200x128xi32, #tpu.memory_space<vmem>>) target_semaphore(%run_scoped3A : memref<!tpu.dma_semaphore, #tpu.memory_space<semaphore_mem>>)
      %dma_wait3A_228 = arith.constant 0 : i32
      %dma_wait3A_229 = tpu.memref_slice %arg2[%mul3A_2, %dma_wait3A_228] : memref<6400x128xi32, #tpu.memory_space<hbm>> -> memref<200x128xi32, #tpu.memory_space<hbm>>
      %dma_wait3A_230 = arith.constant 0 : i32
      %dma_wait3A_231 = tpu.memref_slice %arg2[%mul3A_2, %dma_wait3A_230] : memref<6400x128xi32, #tpu.memory_space<hbm>> -> memref<200x128xi32, #tpu.memory_space<hbm>>
      tpu.wait_dma2 semaphore(%run_scoped3A : memref<!tpu.dma_semaphore, #tpu.memory_space<semaphore_mem>>) src(%dma_wait3A_231 : memref<200x128xi32, #tpu.memory_space<hbm>>) dst(%arg5 : memref<200x128xi32, #tpu.memory_space<vmem>>)
      tpu.yield
    }) : () -> ()
    %mul3A_3 = arith.constant 128 : i32
    %mul3A_4 = arith.muli %mul3A_2, %mul3A_3 : i32
    %dma_start3A = arith.constant 0 : i32
    %dma_start3A_5 = arith.constant 0 : i32
    %dma_start3A_6 = arith.constant 0 : i32
    %dma_start3A_7 = arith.constant 0 : i32
    %dma_start3A_8 = tpu.memref_slice %arg6[%dma_start3A_5, %dma_start3A_6, %dma_start3A_7] : memref<8x128x64xf32, #tpu.memory_space<vmem>> -> memref<1x128x64xf32, #tpu.memory_space<vmem>>
    %dma_start3A_9 = tpu.memref_squeeze %dma_start3A_8 : memref<1x128x64xf32, #tpu.memory_space<vmem>> -> memref<128x64xf32, #tpu.memory_space<vmem>>
    %dma_start3A_10 = arith.constant 0 : i32
    %dma_start3A_11 = tpu.memref_slice %arg5[%dma_start3A, %dma_start3A_10] : memref<200x128xi32, #tpu.memory_space<vmem>> -> memref<1x128xi32, #tpu.memory_space<vmem>>
    %dma_start3A_12 = tpu.memref_squeeze %dma_start3A_11 : memref<1x128xi32, #tpu.memory_space<vmem>> -> memref<128xi32, #tpu.memory_space<vmem>>
    %dma_start3A_13 = arith.constant 0 : i32
    %dma_start3A_14 = arith.constant 0 : i32
    %dma_start3A_15 = tpu.memref_slice %arg3[%dma_start3A_13, %dma_start3A_14] : memref<1000000x64xf32, #tpu.memory_space<hbm>> -> memref<1000000x64xf32, #tpu.memory_space<hbm>>
    tpu.enqueue_indirect_dma source(%dma_start3A_15 : memref<1000000x64xf32, #tpu.memory_space<hbm>>) target(%dma_start3A_9 : memref<128x64xf32, #tpu.memory_space<vmem>>) offsets(%dma_start3A_12 : memref<128xi32, #tpu.memory_space<vmem>>) semaphore(%arg7 : memref<!tpu.dma_semaphore, #tpu.memory_space<semaphore_mem>>)
    %dma_start3A_16 = arith.constant 1 : i32
    %dma_start3A_17 = arith.constant 1 : i32
    %dma_start3A_18 = arith.constant 0 : i32
    %dma_start3A_19 = arith.constant 0 : i32
    %dma_start3A_20 = tpu.memref_slice %arg6[%dma_start3A_17, %dma_start3A_18, %dma_start3A_19] : memref<8x128x64xf32, #tpu.memory_space<vmem>> -> memref<1x128x64xf32, #tpu.memory_space<vmem>>
    %dma_start3A_21 = tpu.memref_squeeze %dma_start3A_20 : memref<1x128x64xf32, #tpu.memory_space<vmem>> -> memref<128x64xf32, #tpu.memory_space<vmem>>
    %dma_start3A_22 = arith.constant 0 : i32
    %dma_start3A_23 = tpu.memref_slice %arg5[%dma_start3A_16, %dma_start3A_22] : memref<200x128xi32, #tpu.memory_space<vmem>> -> memref<1x128xi32, #tpu.memory_space<vmem>>
    %dma_start3A_24 = tpu.memref_squeeze %dma_start3A_23 : memref<1x128xi32, #tpu.memory_space<vmem>> -> memref<128xi32, #tpu.memory_space<vmem>>
    %dma_start3A_25 = arith.constant 0 : i32
    %dma_start3A_26 = arith.constant 0 : i32
    %dma_start3A_27 = tpu.memref_slice %arg3[%dma_start3A_25, %dma_start3A_26] : memref<1000000x64xf32, #tpu.memory_space<hbm>> -> memref<1000000x64xf32, #tpu.memory_space<hbm>>
    tpu.enqueue_indirect_dma source(%dma_start3A_27 : memref<1000000x64xf32, #tpu.memory_space<hbm>>) target(%dma_start3A_21 : memref<128x64xf32, #tpu.memory_space<vmem>>) offsets(%dma_start3A_24 : memref<128xi32, #tpu.memory_space<vmem>>) semaphore(%arg8 : memref<!tpu.dma_semaphore, #tpu.memory_space<semaphore_mem>>)
    %dma_start3A_28 = arith.constant 2 : i32
    %dma_start3A_29 = arith.constant 2 : i32
    %dma_start3A_30 = arith.constant 0 : i32
    %dma_start3A_31 = arith.constant 0 : i32
    %dma_start3A_32 = tpu.memref_slice %arg6[%dma_start3A_29, %dma_start3A_30, %dma_start3A_31] : memref<8x128x64xf32, #tpu.memory_space<vmem>> -> memref<1x128x64xf32, #tpu.memory_space<vmem>>
    %dma_start3A_33 = tpu.memref_squeeze %dma_start3A_32 : memref<1x128x64xf32, #tpu.memory_space<vmem>> -> memref<128x64xf32, #tpu.memory_space<vmem>>
    %dma_start3A_34 = arith.constant 0 : i32
    %dma_start3A_35 = tpu.memref_slice %arg5[%dma_start3A_28, %dma_start3A_34] : memref<200x128xi32, #tpu.memory_space<vmem>> -> memref<1x128xi32, #tpu.memory_space<vmem>>
    %dma_start3A_36 = tpu.memref_squeeze %dma_start3A_35 : memref<1x128xi32, #tpu.memory_space<vmem>> -> memref<128xi32, #tpu.memory_space<vmem>>
    %dma_start3A_37 = arith.constant 0 : i32
    %dma_start3A_38 = arith.constant 0 : i32
    %dma_start3A_39 = tpu.memref_slice %arg3[%dma_start3A_37, %dma_start3A_38] : memref<1000000x64xf32, #tpu.memory_space<hbm>> -> memref<1000000x64xf32, #tpu.memory_space<hbm>>
    tpu.enqueue_indirect_dma source(%dma_start3A_39 : memref<1000000x64xf32, #tpu.memory_space<hbm>>) target(%dma_start3A_33 : memref<128x64xf32, #tpu.memory_space<vmem>>) offsets(%dma_start3A_36 : memref<128xi32, #tpu.memory_space<vmem>>) semaphore(%arg9 : memref<!tpu.dma_semaphore, #tpu.memory_space<semaphore_mem>>)
    %dma_start3A_40 = arith.constant 3 : i32
    %dma_start3A_41 = arith.constant 3 : i32
    %dma_start3A_42 = arith.constant 0 : i32
    %dma_start3A_43 = arith.constant 0 : i32
    %dma_start3A_44 = tpu.memref_slice %arg6[%dma_start3A_41, %dma_start3A_42, %dma_start3A_43] : memref<8x128x64xf32, #tpu.memory_space<vmem>> -> memref<1x128x64xf32, #tpu.memory_space<vmem>>
    %dma_start3A_45 = tpu.memref_squeeze %dma_start3A_44 : memref<1x128x64xf32, #tpu.memory_space<vmem>> -> memref<128x64xf32, #tpu.memory_space<vmem>>
    %dma_start3A_46 = arith.constant 0 : i32
    %dma_start3A_47 = tpu.memref_slice %arg5[%dma_start3A_40, %dma_start3A_46] : memref<200x128xi32, #tpu.memory_space<vmem>> -> memref<1x128xi32, #tpu.memory_space<vmem>>
    %dma_start3A_48 = tpu.memref_squeeze %dma_start3A_47 : memref<1x128xi32, #tpu.memory_space<vmem>> -> memref<128xi32, #tpu.memory_space<vmem>>
    %dma_start3A_49 = arith.constant 0 : i32
    %dma_start3A_50 = arith.constant 0 : i32
    %dma_start3A_51 = tpu.memref_slice %arg3[%dma_start3A_49, %dma_start3A_50] : memref<1000000x64xf32, #tpu.memory_space<hbm>> -> memref<1000000x64xf32, #tpu.memory_space<hbm>>
    tpu.enqueue_indirect_dma source(%dma_start3A_51 : memref<1000000x64xf32, #tpu.memory_space<hbm>>) target(%dma_start3A_45 : memref<128x64xf32, #tpu.memory_space<vmem>>) offsets(%dma_start3A_48 : memref<128xi32, #tpu.memory_space<vmem>>) semaphore(%arg10 : memref<!tpu.dma_semaphore, #tpu.memory_space<semaphore_mem>>)
    %dma_start3A_52 = arith.constant 4 : i32
    %dma_start3A_53 = arith.constant 4 : i32
    %dma_start3A_54 = arith.constant 0 : i32
    %dma_start3A_55 = arith.constant 0 : i32
    %dma_start3A_56 = tpu.memref_slice %arg6[%dma_start3A_53, %dma_start3A_54, %dma_start3A_55] : memref<8x128x64xf32, #tpu.memory_space<vmem>> -> memref<1x128x64xf32, #tpu.memory_space<vmem>>
    %dma_start3A_57 = tpu.memref_squeeze %dma_start3A_56 : memref<1x128x64xf32, #tpu.memory_space<vmem>> -> memref<128x64xf32, #tpu.memory_space<vmem>>
    %dma_start3A_58 = arith.constant 0 : i32
    %dma_start3A_59 = tpu.memref_slice %arg5[%dma_start3A_52, %dma_start3A_58] : memref<200x128xi32, #tpu.memory_space<vmem>> -> memref<1x128xi32, #tpu.memory_space<vmem>>
    %dma_start3A_60 = tpu.memref_squeeze %dma_start3A_59 : memref<1x128xi32, #tpu.memory_space<vmem>> -> memref<128xi32, #tpu.memory_space<vmem>>
    %dma_start3A_61 = arith.constant 0 : i32
    %dma_start3A_62 = arith.constant 0 : i32
    %dma_start3A_63 = tpu.memref_slice %arg3[%dma_start3A_61, %dma_start3A_62] : memref<1000000x64xf32, #tpu.memory_space<hbm>> -> memref<1000000x64xf32, #tpu.memory_space<hbm>>
    tpu.enqueue_indirect_dma source(%dma_start3A_63 : memref<1000000x64xf32, #tpu.memory_space<hbm>>) target(%dma_start3A_57 : memref<128x64xf32, #tpu.memory_space<vmem>>) offsets(%dma_start3A_60 : memref<128xi32, #tpu.memory_space<vmem>>) semaphore(%arg11 : memref<!tpu.dma_semaphore, #tpu.memory_space<semaphore_mem>>)
    %dma_start3A_64 = arith.constant 5 : i32
    %dma_start3A_65 = arith.constant 5 : i32
    %dma_start3A_66 = arith.constant 0 : i32
    %dma_start3A_67 = arith.constant 0 : i32
    %dma_start3A_68 = tpu.memref_slice %arg6[%dma_start3A_65, %dma_start3A_66, %dma_start3A_67] : memref<8x128x64xf32, #tpu.memory_space<vmem>> -> memref<1x128x64xf32, #tpu.memory_space<vmem>>
    %dma_start3A_69 = tpu.memref_squeeze %dma_start3A_68 : memref<1x128x64xf32, #tpu.memory_space<vmem>> -> memref<128x64xf32, #tpu.memory_space<vmem>>
    %dma_start3A_70 = arith.constant 0 : i32
    %dma_start3A_71 = tpu.memref_slice %arg5[%dma_start3A_64, %dma_start3A_70] : memref<200x128xi32, #tpu.memory_space<vmem>> -> memref<1x128xi32, #tpu.memory_space<vmem>>
    %dma_start3A_72 = tpu.memref_squeeze %dma_start3A_71 : memref<1x128xi32, #tpu.memory_space<vmem>> -> memref<128xi32, #tpu.memory_space<vmem>>
    %dma_start3A_73 = arith.constant 0 : i32
    %dma_start3A_74 = arith.constant 0 : i32
    %dma_start3A_75 = tpu.memref_slice %arg3[%dma_start3A_73, %dma_start3A_74] : memref<1000000x64xf32, #tpu.memory_space<hbm>> -> memref<1000000x64xf32, #tpu.memory_space<hbm>>
    tpu.enqueue_indirect_dma source(%dma_start3A_75 : memref<1000000x64xf32, #tpu.memory_space<hbm>>) target(%dma_start3A_69 : memref<128x64xf32, #tpu.memory_space<vmem>>) offsets(%dma_start3A_72 : memref<128xi32, #tpu.memory_space<vmem>>) semaphore(%arg12 : memref<!tpu.dma_semaphore, #tpu.memory_space<semaphore_mem>>)
    %dma_start3A_76 = arith.constant 6 : i32
    %dma_start3A_77 = arith.constant 6 : i32
    %dma_start3A_78 = arith.constant 0 : i32
    %dma_start3A_79 = arith.constant 0 : i32
    %dma_start3A_80 = tpu.memref_slice %arg6[%dma_start3A_77, %dma_start3A_78, %dma_start3A_79] : memref<8x128x64xf32, #tpu.memory_space<vmem>> -> memref<1x128x64xf32, #tpu.memory_space<vmem>>
    %dma_start3A_81 = tpu.memref_squeeze %dma_start3A_80 : memref<1x128x64xf32, #tpu.memory_space<vmem>> -> memref<128x64xf32, #tpu.memory_space<vmem>>
    %dma_start3A_82 = arith.constant 0 : i32
    %dma_start3A_83 = tpu.memref_slice %arg5[%dma_start3A_76, %dma_start3A_82] : memref<200x128xi32, #tpu.memory_space<vmem>> -> memref<1x128xi32, #tpu.memory_space<vmem>>
    %dma_start3A_84 = tpu.memref_squeeze %dma_start3A_83 : memref<1x128xi32, #tpu.memory_space<vmem>> -> memref<128xi32, #tpu.memory_space<vmem>>
    %dma_start3A_85 = arith.constant 0 : i32
    %dma_start3A_86 = arith.constant 0 : i32
    %dma_start3A_87 = tpu.memref_slice %arg3[%dma_start3A_85, %dma_start3A_86] : memref<1000000x64xf32, #tpu.memory_space<hbm>> -> memref<1000000x64xf32, #tpu.memory_space<hbm>>
    tpu.enqueue_indirect_dma source(%dma_start3A_87 : memref<1000000x64xf32, #tpu.memory_space<hbm>>) target(%dma_start3A_81 : memref<128x64xf32, #tpu.memory_space<vmem>>) offsets(%dma_start3A_84 : memref<128xi32, #tpu.memory_space<vmem>>) semaphore(%arg13 : memref<!tpu.dma_semaphore, #tpu.memory_space<semaphore_mem>>)
    %dma_start3A_88 = arith.constant 7 : i32
    %dma_start3A_89 = arith.constant 7 : i32
    %dma_start3A_90 = arith.constant 0 : i32
    %dma_start3A_91 = arith.constant 0 : i32
    %dma_start3A_92 = tpu.memref_slice %arg6[%dma_start3A_89, %dma_start3A_90, %dma_start3A_91] : memref<8x128x64xf32, #tpu.memory_space<vmem>> -> memref<1x128x64xf32, #tpu.memory_space<vmem>>
    %dma_start3A_93 = tpu.memref_squeeze %dma_start3A_92 : memref<1x128x64xf32, #tpu.memory_space<vmem>> -> memref<128x64xf32, #tpu.memory_space<vmem>>
    %dma_start3A_94 = arith.constant 0 : i32
    %dma_start3A_95 = tpu.memref_slice %arg5[%dma_start3A_88, %dma_start3A_94] : memref<200x128xi32, #tpu.memory_space<vmem>> -> memref<1x128xi32, #tpu.memory_space<vmem>>
    %dma_start3A_96 = tpu.memref_squeeze %dma_start3A_95 : memref<1x128xi32, #tpu.memory_space<vmem>> -> memref<128xi32, #tpu.memory_space<vmem>>
    %dma_start3A_97 = arith.constant 0 : i32
    %dma_start3A_98 = arith.constant 0 : i32
    %dma_start3A_99 = tpu.memref_slice %arg3[%dma_start3A_97, %dma_start3A_98] : memref<1000000x64xf32, #tpu.memory_space<hbm>> -> memref<1000000x64xf32, #tpu.memory_space<hbm>>
    tpu.enqueue_indirect_dma source(%dma_start3A_99 : memref<1000000x64xf32, #tpu.memory_space<hbm>>) target(%dma_start3A_93 : memref<128x64xf32, #tpu.memory_space<vmem>>) offsets(%dma_start3A_96 : memref<128xi32, #tpu.memory_space<vmem>>) semaphore(%arg14 : memref<!tpu.dma_semaphore, #tpu.memory_space<semaphore_mem>>)
    %scan3A = arith.constant 0 : i32
    %scan3A_100 = arith.constant 0 : i32
    %scan3A_101 = arith.constant 25 : i32
    %scan3A_102 = arith.addi %scan3A_100, %scan3A_101 : i32
    %scan3A_103 = arith.constant 1 : i32
    scf.for %scan3A_224 = %scan3A_100 to %scan3A_102 step %scan3A_103  : i32 {
      %mul3A_225 = arith.constant 8 : i32
      %mul3A_226 = arith.muli %scan3A_224, %mul3A_225 : i32
      %add3A_227 = arith.constant 0 : i32
      %add3A_228 = arith.addi %mul3A_226, %add3A_227 : i32
      %dma_wait3A_229 = arith.constant 0 : i32
      %dma_wait3A_230 = arith.constant 0 : i32
      %dma_wait3A_231 = arith.constant 0 : i32
      %dma_wait3A_232 = tpu.memref_slice %arg6[%dma_wait3A_229, %dma_wait3A_230, %dma_wait3A_231] : memref<8x128x64xf32, #tpu.memory_space<vmem>> -> memref<1x128x64xf32, #tpu.memory_space<vmem>>
      %dma_wait3A_233 = tpu.memref_squeeze %dma_wait3A_232 : memref<1x128x64xf32, #tpu.memory_space<vmem>> -> memref<128x64xf32, #tpu.memory_space<vmem>>
      %dma_wait3A_234 = arith.constant 0 : i32
      %dma_wait3A_235 = tpu.memref_slice %arg5[%add3A_228, %dma_wait3A_234] : memref<200x128xi32, #tpu.memory_space<vmem>> -> memref<1x128xi32, #tpu.memory_space<vmem>>
      %dma_wait3A_236 = tpu.memref_squeeze %dma_wait3A_235 : memref<1x128xi32, #tpu.memory_space<vmem>> -> memref<128xi32, #tpu.memory_space<vmem>>
      %dma_wait3A_237 = arith.constant 0 : i32
      %dma_wait3A_238 = arith.constant 0 : i32
      %dma_wait3A_239 = tpu.memref_slice %arg3[%dma_wait3A_237, %dma_wait3A_238] : memref<1000000x64xf32, #tpu.memory_space<hbm>> -> memref<1000000x64xf32, #tpu.memory_space<hbm>>
      tpu.wait_indirect_dma semaphore(%arg7 : memref<!tpu.dma_semaphore, #tpu.memory_space<semaphore_mem>>) src(%dma_wait3A_239 : memref<1000000x64xf32, #tpu.memory_space<hbm>>) dst(%dma_wait3A_233 : memref<128x64xf32, #tpu.memory_space<vmem>>)
      %add3A_240 = arith.constant 0 : i32
      %add3A_241 = arith.addi %mul3A_226, %add3A_240 : i32
      %mul3A_242 = arith.constant 128 : i32
      %mul3A_243 = arith.muli %add3A_241, %mul3A_242 : i32
      %add3A_244 = arith.addi %mul3A_4, %mul3A_243 : i32
      %dma_start3A_245 = arith.constant 0 : i32
      %dma_start3A_246 = arith.constant 0 : i32
      %dma_start3A_247 = arith.constant 0 : i32
      %dma_start3A_248 = tpu.memref_slice %arg6[%dma_start3A_245, %dma_start3A_246, %dma_start3A_247] : memref<8x128x64xf32, #tpu.memory_space<vmem>> -> memref<1x128x64xf32, #tpu.memory_space<vmem>>
      %dma_start3A_249 = tpu.memref_squeeze %dma_start3A_248 : memref<1x128x64xf32, #tpu.memory_space<vmem>> -> memref<128x64xf32, #tpu.memory_space<vmem>>
      %dma_start3A_250 = arith.constant 0 : i32
      %dma_start3A_251 = tpu.memref_slice %arg4[%add3A_244, %dma_start3A_250] : memref<819200x64xf32, #tpu.memory_space<hbm>> -> memref<128x64xf32, #tpu.memory_space<hbm>>
      %dma_start3A_252 = arith.constant 0 : i32
      %dma_start3A_253 = tpu.memref_slice %arg4[%add3A_244, %dma_start3A_252] : memref<819200x64xf32, #tpu.memory_space<hbm>> -> memref<128x64xf32, #tpu.memory_space<hbm>>
      %dma_start3A_254 = arith.constant 0 : i32
      %dma_start3A_255 = arith.constant 0 : i32
      %dma_start3A_256 = tpu.memref_slice %arg6[%dma_start3A_245, %dma_start3A_254, %dma_start3A_255] : memref<8x128x64xf32, #tpu.memory_space<vmem>> -> memref<1x128x64xf32, #tpu.memory_space<vmem>>
      %dma_start3A_257 = tpu.memref_squeeze %dma_start3A_256 : memref<1x128x64xf32, #tpu.memory_space<vmem>> -> memref<128x64xf32, #tpu.memory_space<vmem>>
      tpu.enqueue_dma source(%dma_start3A_257 : memref<128x64xf32, #tpu.memory_space<vmem>>) target(%dma_start3A_253 : memref<128x64xf32, #tpu.memory_space<hbm>>) target_semaphore(%arg15 : memref<!tpu.dma_semaphore, #tpu.memory_space<semaphore_mem>>)
      %add3A_258 = arith.constant 1 : i32
      %add3A_259 = arith.addi %mul3A_226, %add3A_258 : i32
      %dma_wait3A_260 = arith.constant 1 : i32
      %dma_wait3A_261 = arith.constant 0 : i32
      %dma_wait3A_262 = arith.constant 0 : i32
      %dma_wait3A_263 = tpu.memref_slice %arg6[%dma_wait3A_260, %dma_wait3A_261, %dma_wait3A_262] : memref<8x128x64xf32, #tpu.memory_space<vmem>> -> memref<1x128x64xf32, #tpu.memory_space<vmem>>
      %dma_wait3A_264 = tpu.memref_squeeze %dma_wait3A_263 : memref<1x128x64xf32, #tpu.memory_space<vmem>> -> memref<128x64xf32, #tpu.memory_space<vmem>>
      %dma_wait3A_265 = arith.constant 0 : i32
      %dma_wait3A_266 = tpu.memref_slice %arg5[%add3A_259, %dma_wait3A_265] : memref<200x128xi32, #tpu.memory_space<vmem>> -> memref<1x128xi32, #tpu.memory_space<vmem>>
      %dma_wait3A_267 = tpu.memref_squeeze %dma_wait3A_266 : memref<1x128xi32, #tpu.memory_space<vmem>> -> memref<128xi32, #tpu.memory_space<vmem>>
      %dma_wait3A_268 = arith.constant 0 : i32
      %dma_wait3A_269 = arith.constant 0 : i32
      %dma_wait3A_270 = tpu.memref_slice %arg3[%dma_wait3A_268, %dma_wait3A_269] : memref<1000000x64xf32, #tpu.memory_space<hbm>> -> memref<1000000x64xf32, #tpu.memory_space<hbm>>
      tpu.wait_indirect_dma semaphore(%arg8 : memref<!tpu.dma_semaphore, #tpu.memory_space<semaphore_mem>>) src(%dma_wait3A_270 : memref<1000000x64xf32, #tpu.memory_space<hbm>>) dst(%dma_wait3A_264 : memref<128x64xf32, #tpu.memory_space<vmem>>)
      %add3A_271 = arith.constant 1 : i32
      %add3A_272 = arith.addi %mul3A_226, %add3A_271 : i32
      %mul3A_273 = arith.constant 128 : i32
      %mul3A_274 = arith.muli %add3A_272, %mul3A_273 : i32
      %add3A_275 = arith.addi %mul3A_4, %mul3A_274 : i32
      %dma_start3A_276 = arith.constant 1 : i32
      %dma_start3A_277 = arith.constant 0 : i32
      %dma_start3A_278 = arith.constant 0 : i32
      %dma_start3A_279 = tpu.memref_slice %arg6[%dma_start3A_276, %dma_start3A_277, %dma_start3A_278] : memref<8x128x64xf32, #tpu.memory_space<vmem>> -> memref<1x128x64xf32, #tpu.memory_space<vmem>>
      %dma_start3A_280 = tpu.memref_squeeze %dma_start3A_279 : memref<1x128x64xf32, #tpu.memory_space<vmem>> -> memref<128x64xf32, #tpu.memory_space<vmem>>
      %dma_start3A_281 = arith.constant 0 : i32
      %dma_start3A_282 = tpu.memref_slice %arg4[%add3A_275, %dma_start3A_281] : memref<819200x64xf32, #tpu.memory_space<hbm>> -> memref<128x64xf32, #tpu.memory_space<hbm>>
      %dma_start3A_283 = arith.constant 0 : i32
      %dma_start3A_284 = tpu.memref_slice %arg4[%add3A_275, %dma_start3A_283] : memref<819200x64xf32, #tpu.memory_space<hbm>> -> memref<128x64xf32, #tpu.memory_space<hbm>>
      %dma_start3A_285 = arith.constant 0 : i32
      %dma_start3A_286 = arith.constant 0 : i32
      %dma_start3A_287 = tpu.memref_slice %arg6[%dma_start3A_276, %dma_start3A_285, %dma_start3A_286] : memref<8x128x64xf32, #tpu.memory_space<vmem>> -> memref<1x128x64xf32, #tpu.memory_space<vmem>>
      %dma_start3A_288 = tpu.memref_squeeze %dma_start3A_287 : memref<1x128x64xf32, #tpu.memory_space<vmem>> -> memref<128x64xf32, #tpu.memory_space<vmem>>
      tpu.enqueue_dma source(%dma_start3A_288 : memref<128x64xf32, #tpu.memory_space<vmem>>) target(%dma_start3A_284 : memref<128x64xf32, #tpu.memory_space<hbm>>) target_semaphore(%arg16 : memref<!tpu.dma_semaphore, #tpu.memory_space<semaphore_mem>>)
      %add3A_289 = arith.constant 2 : i32
      %add3A_290 = arith.addi %mul3A_226, %add3A_289 : i32
      %dma_wait3A_291 = arith.constant 2 : i32
      %dma_wait3A_292 = arith.constant 0 : i32
      %dma_wait3A_293 = arith.constant 0 : i32
      %dma_wait3A_294 = tpu.memref_slice %arg6[%dma_wait3A_291, %dma_wait3A_292, %dma_wait3A_293] : memref<8x128x64xf32, #tpu.memory_space<vmem>> -> memref<1x128x64xf32, #tpu.memory_space<vmem>>
      %dma_wait3A_295 = tpu.memref_squeeze %dma_wait3A_294 : memref<1x128x64xf32, #tpu.memory_space<vmem>> -> memref<128x64xf32, #tpu.memory_space<vmem>>
      %dma_wait3A_296 = arith.constant 0 : i32
      %dma_wait3A_297 = tpu.memref_slice %arg5[%add3A_290, %dma_wait3A_296] : memref<200x128xi32, #tpu.memory_space<vmem>> -> memref<1x128xi32, #tpu.memory_space<vmem>>
      %dma_wait3A_298 = tpu.memref_squeeze %dma_wait3A_297 : memref<1x128xi32, #tpu.memory_space<vmem>> -> memref<128xi32, #tpu.memory_space<vmem>>
      %dma_wait3A_299 = arith.constant 0 : i32
      %dma_wait3A_300 = arith.constant 0 : i32
      %dma_wait3A_301 = tpu.memref_slice %arg3[%dma_wait3A_299, %dma_wait3A_300] : memref<1000000x64xf32, #tpu.memory_space<hbm>> -> memref<1000000x64xf32, #tpu.memory_space<hbm>>
      tpu.wait_indirect_dma semaphore(%arg9 : memref<!tpu.dma_semaphore, #tpu.memory_space<semaphore_mem>>) src(%dma_wait3A_301 : memref<1000000x64xf32, #tpu.memory_space<hbm>>) dst(%dma_wait3A_295 : memref<128x64xf32, #tpu.memory_space<vmem>>)
      %add3A_302 = arith.constant 2 : i32
      %add3A_303 = arith.addi %mul3A_226, %add3A_302 : i32
      %mul3A_304 = arith.constant 128 : i32
      %mul3A_305 = arith.muli %add3A_303, %mul3A_304 : i32
      %add3A_306 = arith.addi %mul3A_4, %mul3A_305 : i32
      %dma_start3A_307 = arith.constant 2 : i32
      %dma_start3A_308 = arith.constant 0 : i32
      %dma_start3A_309 = arith.constant 0 : i32
      %dma_start3A_310 = tpu.memref_slice %arg6[%dma_start3A_307, %dma_start3A_308, %dma_start3A_309] : memref<8x128x64xf32, #tpu.memory_space<vmem>> -> memref<1x128x64xf32, #tpu.memory_space<vmem>>
      %dma_start3A_311 = tpu.memref_squeeze %dma_start3A_310 : memref<1x128x64xf32, #tpu.memory_space<vmem>> -> memref<128x64xf32, #tpu.memory_space<vmem>>
      %dma_start3A_312 = arith.constant 0 : i32
      %dma_start3A_313 = tpu.memref_slice %arg4[%add3A_306, %dma_start3A_312] : memref<819200x64xf32, #tpu.memory_space<hbm>> -> memref<128x64xf32, #tpu.memory_space<hbm>>
      %dma_start3A_314 = arith.constant 0 : i32
      %dma_start3A_315 = tpu.memref_slice %arg4[%add3A_306, %dma_start3A_314] : memref<819200x64xf32, #tpu.memory_space<hbm>> -> memref<128x64xf32, #tpu.memory_space<hbm>>
      %dma_start3A_316 = arith.constant 0 : i32
      %dma_start3A_317 = arith.constant 0 : i32
      %dma_start3A_318 = tpu.memref_slice %arg6[%dma_start3A_307, %dma_start3A_316, %dma_start3A_317] : memref<8x128x64xf32, #tpu.memory_space<vmem>> -> memref<1x128x64xf32, #tpu.memory_space<vmem>>
      %dma_start3A_319 = tpu.memref_squeeze %dma_start3A_318 : memref<1x128x64xf32, #tpu.memory_space<vmem>> -> memref<128x64xf32, #tpu.memory_space<vmem>>
      tpu.enqueue_dma source(%dma_start3A_319 : memref<128x64xf32, #tpu.memory_space<vmem>>) target(%dma_start3A_315 : memref<128x64xf32, #tpu.memory_space<hbm>>) target_semaphore(%arg17 : memref<!tpu.dma_semaphore, #tpu.memory_space<semaphore_mem>>)
      %add3A_320 = arith.constant 3 : i32
      %add3A_321 = arith.addi %mul3A_226, %add3A_320 : i32
      %dma_wait3A_322 = arith.constant 3 : i32
      %dma_wait3A_323 = arith.constant 0 : i32
      %dma_wait3A_324 = arith.constant 0 : i32
      %dma_wait3A_325 = tpu.memref_slice %arg6[%dma_wait3A_322, %dma_wait3A_323, %dma_wait3A_324] : memref<8x128x64xf32, #tpu.memory_space<vmem>> -> memref<1x128x64xf32, #tpu.memory_space<vmem>>
      %dma_wait3A_326 = tpu.memref_squeeze %dma_wait3A_325 : memref<1x128x64xf32, #tpu.memory_space<vmem>> -> memref<128x64xf32, #tpu.memory_space<vmem>>
      %dma_wait3A_327 = arith.constant 0 : i32
      %dma_wait3A_328 = tpu.memref_slice %arg5[%add3A_321, %dma_wait3A_327] : memref<200x128xi32, #tpu.memory_space<vmem>> -> memref<1x128xi32, #tpu.memory_space<vmem>>
      %dma_wait3A_329 = tpu.memref_squeeze %dma_wait3A_328 : memref<1x128xi32, #tpu.memory_space<vmem>> -> memref<128xi32, #tpu.memory_space<vmem>>
      %dma_wait3A_330 = arith.constant 0 : i32
      %dma_wait3A_331 = arith.constant 0 : i32
      %dma_wait3A_332 = tpu.memref_slice %arg3[%dma_wait3A_330, %dma_wait3A_331] : memref<1000000x64xf32, #tpu.memory_space<hbm>> -> memref<1000000x64xf32, #tpu.memory_space<hbm>>
      tpu.wait_indirect_dma semaphore(%arg10 : memref<!tpu.dma_semaphore, #tpu.memory_space<semaphore_mem>>) src(%dma_wait3A_332 : memref<1000000x64xf32, #tpu.memory_space<hbm>>) dst(%dma_wait3A_326 : memref<128x64xf32, #tpu.memory_space<vmem>>)
      %add3A_333 = arith.constant 3 : i32
      %add3A_334 = arith.addi %mul3A_226, %add3A_333 : i32
      %mul3A_335 = arith.constant 128 : i32
      %mul3A_336 = arith.muli %add3A_334, %mul3A_335 : i32
      %add3A_337 = arith.addi %mul3A_4, %mul3A_336 : i32
      %dma_start3A_338 = arith.constant 3 : i32
      %dma_start3A_339 = arith.constant 0 : i32
      %dma_start3A_340 = arith.constant 0 : i32
      %dma_start3A_341 = tpu.memref_slice %arg6[%dma_start3A_338, %dma_start3A_339, %dma_start3A_340] : memref<8x128x64xf32, #tpu.memory_space<vmem>> -> memref<1x128x64xf32, #tpu.memory_space<vmem>>
      %dma_start3A_342 = tpu.memref_squeeze %dma_start3A_341 : memref<1x128x64xf32, #tpu.memory_space<vmem>> -> memref<128x64xf32, #tpu.memory_space<vmem>>
      %dma_start3A_343 = arith.constant 0 : i32
      %dma_start3A_344 = tpu.memref_slice %arg4[%add3A_337, %dma_start3A_343] : memref<819200x64xf32, #tpu.memory_space<hbm>> -> memref<128x64xf32, #tpu.memory_space<hbm>>
      %dma_start3A_345 = arith.constant 0 : i32
      %dma_start3A_346 = tpu.memref_slice %arg4[%add3A_337, %dma_start3A_345] : memref<819200x64xf32, #tpu.memory_space<hbm>> -> memref<128x64xf32, #tpu.memory_space<hbm>>
      %dma_start3A_347 = arith.constant 0 : i32
      %dma_start3A_348 = arith.constant 0 : i32
      %dma_start3A_349 = tpu.memref_slice %arg6[%dma_start3A_338, %dma_start3A_347, %dma_start3A_348] : memref<8x128x64xf32, #tpu.memory_space<vmem>> -> memref<1x128x64xf32, #tpu.memory_space<vmem>>
      %dma_start3A_350 = tpu.memref_squeeze %dma_start3A_349 : memref<1x128x64xf32, #tpu.memory_space<vmem>> -> memref<128x64xf32, #tpu.memory_space<vmem>>
      tpu.enqueue_dma source(%dma_start3A_350 : memref<128x64xf32, #tpu.memory_space<vmem>>) target(%dma_start3A_346 : memref<128x64xf32, #tpu.memory_space<hbm>>) target_semaphore(%arg18 : memref<!tpu.dma_semaphore, #tpu.memory_space<semaphore_mem>>)
      %add3A_351 = arith.constant 4 : i32
      %add3A_352 = arith.addi %mul3A_226, %add3A_351 : i32
      %dma_wait3A_353 = arith.constant 4 : i32
      %dma_wait3A_354 = arith.constant 0 : i32
      %dma_wait3A_355 = arith.constant 0 : i32
      %dma_wait3A_356 = tpu.memref_slice %arg6[%dma_wait3A_353, %dma_wait3A_354, %dma_wait3A_355] : memref<8x128x64xf32, #tpu.memory_space<vmem>> -> memref<1x128x64xf32, #tpu.memory_space<vmem>>
      %dma_wait3A_357 = tpu.memref_squeeze %dma_wait3A_356 : memref<1x128x64xf32, #tpu.memory_space<vmem>> -> memref<128x64xf32, #tpu.memory_space<vmem>>
      %dma_wait3A_358 = arith.constant 0 : i32
      %dma_wait3A_359 = tpu.memref_slice %arg5[%add3A_352, %dma_wait3A_358] : memref<200x128xi32, #tpu.memory_space<vmem>> -> memref<1x128xi32, #tpu.memory_space<vmem>>
      %dma_wait3A_360 = tpu.memref_squeeze %dma_wait3A_359 : memref<1x128xi32, #tpu.memory_space<vmem>> -> memref<128xi32, #tpu.memory_space<vmem>>
      %dma_wait3A_361 = arith.constant 0 : i32
      %dma_wait3A_362 = arith.constant 0 : i32
      %dma_wait3A_363 = tpu.memref_slice %arg3[%dma_wait3A_361, %dma_wait3A_362] : memref<1000000x64xf32, #tpu.memory_space<hbm>> -> memref<1000000x64xf32, #tpu.memory_space<hbm>>
      tpu.wait_indirect_dma semaphore(%arg11 : memref<!tpu.dma_semaphore, #tpu.memory_space<semaphore_mem>>) src(%dma_wait3A_363 : memref<1000000x64xf32, #tpu.memory_space<hbm>>) dst(%dma_wait3A_357 : memref<128x64xf32, #tpu.memory_space<vmem>>)
      %add3A_364 = arith.constant 4 : i32
      %add3A_365 = arith.addi %mul3A_226, %add3A_364 : i32
      %mul3A_366 = arith.constant 128 : i32
      %mul3A_367 = arith.muli %add3A_365, %mul3A_366 : i32
      %add3A_368 = arith.addi %mul3A_4, %mul3A_367 : i32
      %dma_start3A_369 = arith.constant 4 : i32
      %dma_start3A_370 = arith.constant 0 : i32
      %dma_start3A_371 = arith.constant 0 : i32
      %dma_start3A_372 = tpu.memref_slice %arg6[%dma_start3A_369, %dma_start3A_370, %dma_start3A_371] : memref<8x128x64xf32, #tpu.memory_space<vmem>> -> memref<1x128x64xf32, #tpu.memory_space<vmem>>
      %dma_start3A_373 = tpu.memref_squeeze %dma_start3A_372 : memref<1x128x64xf32, #tpu.memory_space<vmem>> -> memref<128x64xf32, #tpu.memory_space<vmem>>
      %dma_start3A_374 = arith.constant 0 : i32
      %dma_start3A_375 = tpu.memref_slice %arg4[%add3A_368, %dma_start3A_374] : memref<819200x64xf32, #tpu.memory_space<hbm>> -> memref<128x64xf32, #tpu.memory_space<hbm>>
      %dma_start3A_376 = arith.constant 0 : i32
      %dma_start3A_377 = tpu.memref_slice %arg4[%add3A_368, %dma_start3A_376] : memref<819200x64xf32, #tpu.memory_space<hbm>> -> memref<128x64xf32, #tpu.memory_space<hbm>>
      %dma_start3A_378 = arith.constant 0 : i32
      %dma_start3A_379 = arith.constant 0 : i32
      %dma_start3A_380 = tpu.memref_slice %arg6[%dma_start3A_369, %dma_start3A_378, %dma_start3A_379] : memref<8x128x64xf32, #tpu.memory_space<vmem>> -> memref<1x128x64xf32, #tpu.memory_space<vmem>>
      %dma_start3A_381 = tpu.memref_squeeze %dma_start3A_380 : memref<1x128x64xf32, #tpu.memory_space<vmem>> -> memref<128x64xf32, #tpu.memory_space<vmem>>
      tpu.enqueue_dma source(%dma_start3A_381 : memref<128x64xf32, #tpu.memory_space<vmem>>) target(%dma_start3A_377 : memref<128x64xf32, #tpu.memory_space<hbm>>) target_semaphore(%arg19 : memref<!tpu.dma_semaphore, #tpu.memory_space<semaphore_mem>>)
      %add3A_382 = arith.constant 5 : i32
      %add3A_383 = arith.addi %mul3A_226, %add3A_382 : i32
      %dma_wait3A_384 = arith.constant 5 : i32
      %dma_wait3A_385 = arith.constant 0 : i32
      %dma_wait3A_386 = arith.constant 0 : i32
      %dma_wait3A_387 = tpu.memref_slice %arg6[%dma_wait3A_384, %dma_wait3A_385, %dma_wait3A_386] : memref<8x128x64xf32, #tpu.memory_space<vmem>> -> memref<1x128x64xf32, #tpu.memory_space<vmem>>
      %dma_wait3A_388 = tpu.memref_squeeze %dma_wait3A_387 : memref<1x128x64xf32, #tpu.memory_space<vmem>> -> memref<128x64xf32, #tpu.memory_space<vmem>>
      %dma_wait3A_389 = arith.constant 0 : i32
      %dma_wait3A_390 = tpu.memref_slice %arg5[%add3A_383, %dma_wait3A_389] : memref<200x128xi32, #tpu.memory_space<vmem>> -> memref<1x128xi32, #tpu.memory_space<vmem>>
      %dma_wait3A_391 = tpu.memref_squeeze %dma_wait3A_390 : memref<1x128xi32, #tpu.memory_space<vmem>> -> memref<128xi32, #tpu.memory_space<vmem>>
      %dma_wait3A_392 = arith.constant 0 : i32
      %dma_wait3A_393 = arith.constant 0 : i32
      %dma_wait3A_394 = tpu.memref_slice %arg3[%dma_wait3A_392, %dma_wait3A_393] : memref<1000000x64xf32, #tpu.memory_space<hbm>> -> memref<1000000x64xf32, #tpu.memory_space<hbm>>
      tpu.wait_indirect_dma semaphore(%arg12 : memref<!tpu.dma_semaphore, #tpu.memory_space<semaphore_mem>>) src(%dma_wait3A_394 : memref<1000000x64xf32, #tpu.memory_space<hbm>>) dst(%dma_wait3A_388 : memref<128x64xf32, #tpu.memory_space<vmem>>)
      %add3A_395 = arith.constant 5 : i32
      %add3A_396 = arith.addi %mul3A_226, %add3A_395 : i32
      %mul3A_397 = arith.constant 128 : i32
      %mul3A_398 = arith.muli %add3A_396, %mul3A_397 : i32
      %add3A_399 = arith.addi %mul3A_4, %mul3A_398 : i32
      %dma_start3A_400 = arith.constant 5 : i32
      %dma_start3A_401 = arith.constant 0 : i32
      %dma_start3A_402 = arith.constant 0 : i32
      %dma_start3A_403 = tpu.memref_slice %arg6[%dma_start3A_400, %dma_start3A_401, %dma_start3A_402] : memref<8x128x64xf32, #tpu.memory_space<vmem>> -> memref<1x128x64xf32, #tpu.memory_space<vmem>>
      %dma_start3A_404 = tpu.memref_squeeze %dma_start3A_403 : memref<1x128x64xf32, #tpu.memory_space<vmem>> -> memref<128x64xf32, #tpu.memory_space<vmem>>
      %dma_start3A_405 = arith.constant 0 : i32
      %dma_start3A_406 = tpu.memref_slice %arg4[%add3A_399, %dma_start3A_405] : memref<819200x64xf32, #tpu.memory_space<hbm>> -> memref<128x64xf32, #tpu.memory_space<hbm>>
      %dma_start3A_407 = arith.constant 0 : i32
      %dma_start3A_408 = tpu.memref_slice %arg4[%add3A_399, %dma_start3A_407] : memref<819200x64xf32, #tpu.memory_space<hbm>> -> memref<128x64xf32, #tpu.memory_space<hbm>>
      %dma_start3A_409 = arith.constant 0 : i32
      %dma_start3A_410 = arith.constant 0 : i32
      %dma_start3A_411 = tpu.memref_slice %arg6[%dma_start3A_400, %dma_start3A_409, %dma_start3A_410] : memref<8x128x64xf32, #tpu.memory_space<vmem>> -> memref<1x128x64xf32, #tpu.memory_space<vmem>>
      %dma_start3A_412 = tpu.memref_squeeze %dma_start3A_411 : memref<1x128x64xf32, #tpu.memory_space<vmem>> -> memref<128x64xf32, #tpu.memory_space<vmem>>
      tpu.enqueue_dma source(%dma_start3A_412 : memref<128x64xf32, #tpu.memory_space<vmem>>) target(%dma_start3A_408 : memref<128x64xf32, #tpu.memory_space<hbm>>) target_semaphore(%arg20 : memref<!tpu.dma_semaphore, #tpu.memory_space<semaphore_mem>>)
      %add3A_413 = arith.constant 6 : i32
      %add3A_414 = arith.addi %mul3A_226, %add3A_413 : i32
      %dma_wait3A_415 = arith.constant 6 : i32
      %dma_wait3A_416 = arith.constant 0 : i32
      %dma_wait3A_417 = arith.constant 0 : i32
      %dma_wait3A_418 = tpu.memref_slice %arg6[%dma_wait3A_415, %dma_wait3A_416, %dma_wait3A_417] : memref<8x128x64xf32, #tpu.memory_space<vmem>> -> memref<1x128x64xf32, #tpu.memory_space<vmem>>
      %dma_wait3A_419 = tpu.memref_squeeze %dma_wait3A_418 : memref<1x128x64xf32, #tpu.memory_space<vmem>> -> memref<128x64xf32, #tpu.memory_space<vmem>>
      %dma_wait3A_420 = arith.constant 0 : i32
      %dma_wait3A_421 = tpu.memref_slice %arg5[%add3A_414, %dma_wait3A_420] : memref<200x128xi32, #tpu.memory_space<vmem>> -> memref<1x128xi32, #tpu.memory_space<vmem>>
      %dma_wait3A_422 = tpu.memref_squeeze %dma_wait3A_421 : memref<1x128xi32, #tpu.memory_space<vmem>> -> memref<128xi32, #tpu.memory_space<vmem>>
      %dma_wait3A_423 = arith.constant 0 : i32
      %dma_wait3A_424 = arith.constant 0 : i32
      %dma_wait3A_425 = tpu.memref_slice %arg3[%dma_wait3A_423, %dma_wait3A_424] : memref<1000000x64xf32, #tpu.memory_space<hbm>> -> memref<1000000x64xf32, #tpu.memory_space<hbm>>
      tpu.wait_indirect_dma semaphore(%arg13 : memref<!tpu.dma_semaphore, #tpu.memory_space<semaphore_mem>>) src(%dma_wait3A_425 : memref<1000000x64xf32, #tpu.memory_space<hbm>>) dst(%dma_wait3A_419 : memref<128x64xf32, #tpu.memory_space<vmem>>)
      %add3A_426 = arith.constant 6 : i32
      %add3A_427 = arith.addi %mul3A_226, %add3A_426 : i32
      %mul3A_428 = arith.constant 128 : i32
      %mul3A_429 = arith.muli %add3A_427, %mul3A_428 : i32
      %add3A_430 = arith.addi %mul3A_4, %mul3A_429 : i32
      %dma_start3A_431 = arith.constant 6 : i32
      %dma_start3A_432 = arith.constant 0 : i32
      %dma_start3A_433 = arith.constant 0 : i32
      %dma_start3A_434 = tpu.memref_slice %arg6[%dma_start3A_431, %dma_start3A_432, %dma_start3A_433] : memref<8x128x64xf32, #tpu.memory_space<vmem>> -> memref<1x128x64xf32, #tpu.memory_space<vmem>>
      %dma_start3A_435 = tpu.memref_squeeze %dma_start3A_434 : memref<1x128x64xf32, #tpu.memory_space<vmem>> -> memref<128x64xf32, #tpu.memory_space<vmem>>
      %dma_start3A_436 = arith.constant 0 : i32
      %dma_start3A_437 = tpu.memref_slice %arg4[%add3A_430, %dma_start3A_436] : memref<819200x64xf32, #tpu.memory_space<hbm>> -> memref<128x64xf32, #tpu.memory_space<hbm>>
      %dma_start3A_438 = arith.constant 0 : i32
      %dma_start3A_439 = tpu.memref_slice %arg4[%add3A_430, %dma_start3A_438] : memref<819200x64xf32, #tpu.memory_space<hbm>> -> memref<128x64xf32, #tpu.memory_space<hbm>>
      %dma_start3A_440 = arith.constant 0 : i32
      %dma_start3A_441 = arith.constant 0 : i32
      %dma_start3A_442 = tpu.memref_slice %arg6[%dma_start3A_431, %dma_start3A_440, %dma_start3A_441] : memref<8x128x64xf32, #tpu.memory_space<vmem>> -> memref<1x128x64xf32, #tpu.memory_space<vmem>>
      %dma_start3A_443 = tpu.memref_squeeze %dma_start3A_442 : memref<1x128x64xf32, #tpu.memory_space<vmem>> -> memref<128x64xf32, #tpu.memory_space<vmem>>
      tpu.enqueue_dma source(%dma_start3A_443 : memref<128x64xf32, #tpu.memory_space<vmem>>) target(%dma_start3A_439 : memref<128x64xf32, #tpu.memory_space<hbm>>) target_semaphore(%arg21 : memref<!tpu.dma_semaphore, #tpu.memory_space<semaphore_mem>>)
      %add3A_444 = arith.constant 7 : i32
      %add3A_445 = arith.addi %mul3A_226, %add3A_444 : i32
      %dma_wait3A_446 = arith.constant 7 : i32
      %dma_wait3A_447 = arith.constant 0 : i32
      %dma_wait3A_448 = arith.constant 0 : i32
      %dma_wait3A_449 = tpu.memref_slice %arg6[%dma_wait3A_446, %dma_wait3A_447, %dma_wait3A_448] : memref<8x128x64xf32, #tpu.memory_space<vmem>> -> memref<1x128x64xf32, #tpu.memory_space<vmem>>
      %dma_wait3A_450 = tpu.memref_squeeze %dma_wait3A_449 : memref<1x128x64xf32, #tpu.memory_space<vmem>> -> memref<128x64xf32, #tpu.memory_space<vmem>>
      %dma_wait3A_451 = arith.constant 0 : i32
      %dma_wait3A_452 = tpu.memref_slice %arg5[%add3A_445, %dma_wait3A_451] : memref<200x128xi32, #tpu.memory_space<vmem>> -> memref<1x128xi32, #tpu.memory_space<vmem>>
      %dma_wait3A_453 = tpu.memref_squeeze %dma_wait3A_452 : memref<1x128xi32, #tpu.memory_space<vmem>> -> memref<128xi32, #tpu.memory_space<vmem>>
      %dma_wait3A_454 = arith.constant 0 : i32
      %dma_wait3A_455 = arith.constant 0 : i32
      %dma_wait3A_456 = tpu.memref_slice %arg3[%dma_wait3A_454, %dma_wait3A_455] : memref<1000000x64xf32, #tpu.memory_space<hbm>> -> memref<1000000x64xf32, #tpu.memory_space<hbm>>
      tpu.wait_indirect_dma semaphore(%arg14 : memref<!tpu.dma_semaphore, #tpu.memory_space<semaphore_mem>>) src(%dma_wait3A_456 : memref<1000000x64xf32, #tpu.memory_space<hbm>>) dst(%dma_wait3A_450 : memref<128x64xf32, #tpu.memory_space<vmem>>)
      %add3A_457 = arith.constant 7 : i32
      %add3A_458 = arith.addi %mul3A_226, %add3A_457 : i32
      %mul3A_459 = arith.constant 128 : i32
      %mul3A_460 = arith.muli %add3A_458, %mul3A_459 : i32
      %add3A_461 = arith.addi %mul3A_4, %mul3A_460 : i32
      %dma_start3A_462 = arith.constant 7 : i32
      %dma_start3A_463 = arith.constant 0 : i32
      %dma_start3A_464 = arith.constant 0 : i32
      %dma_start3A_465 = tpu.memref_slice %arg6[%dma_start3A_462, %dma_start3A_463, %dma_start3A_464] : memref<8x128x64xf32, #tpu.memory_space<vmem>> -> memref<1x128x64xf32, #tpu.memory_space<vmem>>
      %dma_start3A_466 = tpu.memref_squeeze %dma_start3A_465 : memref<1x128x64xf32, #tpu.memory_space<vmem>> -> memref<128x64xf32, #tpu.memory_space<vmem>>
      %dma_start3A_467 = arith.constant 0 : i32
      %dma_start3A_468 = tpu.memref_slice %arg4[%add3A_461, %dma_start3A_467] : memref<819200x64xf32, #tpu.memory_space<hbm>> -> memref<128x64xf32, #tpu.memory_space<hbm>>
      %dma_start3A_469 = arith.constant 0 : i32
      %dma_start3A_470 = tpu.memref_slice %arg4[%add3A_461, %dma_start3A_469] : memref<819200x64xf32, #tpu.memory_space<hbm>> -> memref<128x64xf32, #tpu.memory_space<hbm>>
      %dma_start3A_471 = arith.constant 0 : i32
      %dma_start3A_472 = arith.constant 0 : i32
      %dma_start3A_473 = tpu.memref_slice %arg6[%dma_start3A_462, %dma_start3A_471, %dma_start3A_472] : memref<8x128x64xf32, #tpu.memory_space<vmem>> -> memref<1x128x64xf32, #tpu.memory_space<vmem>>
      %dma_start3A_474 = tpu.memref_squeeze %dma_start3A_473 : memref<1x128x64xf32, #tpu.memory_space<vmem>> -> memref<128x64xf32, #tpu.memory_space<vmem>>
      tpu.enqueue_dma source(%dma_start3A_474 : memref<128x64xf32, #tpu.memory_space<vmem>>) target(%dma_start3A_470 : memref<128x64xf32, #tpu.memory_space<hbm>>) target_semaphore(%arg22 : memref<!tpu.dma_semaphore, #tpu.memory_space<semaphore_mem>>)
      %lt3A = arith.constant 24 : i32
      %lt3A_475 = arith.cmpi slt, %scan3A_224, %lt3A : i32
      %convert_element_type3A = arith.extui %lt3A_475 : i1 to i32
      %cond3A = arith.constant 0 : i32
      %cond3A_476 = arith.cmpi ne, %convert_element_type3A, %cond3A : i32
      scf.if %cond3A_476 {
        %add3A_477 = arith.constant 0 : i32
        %add3A_478 = arith.addi %mul3A_226, %add3A_477 : i32
        %mul3A_479 = arith.constant 128 : i32
        %mul3A_480 = arith.muli %add3A_478, %mul3A_479 : i32
        %add3A_481 = arith.addi %mul3A_4, %mul3A_480 : i32
        %dma_wait3A_482 = arith.constant 0 : i32
        %dma_wait3A_483 = arith.constant 0 : i32
        %dma_wait3A_484 = arith.constant 0 : i32
        %dma_wait3A_485 = tpu.memref_slice %arg6[%dma_wait3A_482, %dma_wait3A_483, %dma_wait3A_484] : memref<8x128x64xf32, #tpu.memory_space<vmem>> -> memref<1x128x64xf32, #tpu.memory_space<vmem>>
        %dma_wait3A_486 = tpu.memref_squeeze %dma_wait3A_485 : memref<1x128x64xf32, #tpu.memory_space<vmem>> -> memref<128x64xf32, #tpu.memory_space<vmem>>
        %dma_wait3A_487 = arith.constant 0 : i32
        %dma_wait3A_488 = tpu.memref_slice %arg4[%add3A_481, %dma_wait3A_487] : memref<819200x64xf32, #tpu.memory_space<hbm>> -> memref<128x64xf32, #tpu.memory_space<hbm>>
        %dma_wait3A_489 = arith.constant 0 : i32
        %dma_wait3A_490 = tpu.memref_slice %arg4[%add3A_481, %dma_wait3A_489] : memref<819200x64xf32, #tpu.memory_space<hbm>> -> memref<128x64xf32, #tpu.memory_space<hbm>>
        %dma_wait3A_491 = arith.constant 0 : i32
        %dma_wait3A_492 = arith.constant 0 : i32
        %dma_wait3A_493 = tpu.memref_slice %arg6[%dma_wait3A_482, %dma_wait3A_491, %dma_wait3A_492] : memref<8x128x64xf32, #tpu.memory_space<vmem>> -> memref<1x128x64xf32, #tpu.memory_space<vmem>>
        %dma_wait3A_494 = tpu.memref_squeeze %dma_wait3A_493 : memref<1x128x64xf32, #tpu.memory_space<vmem>> -> memref<128x64xf32, #tpu.memory_space<vmem>>
        tpu.wait_dma2 semaphore(%arg15 : memref<!tpu.dma_semaphore, #tpu.memory_space<semaphore_mem>>) src(%dma_wait3A_494 : memref<128x64xf32, #tpu.memory_space<vmem>>) dst(%dma_wait3A_490 : memref<128x64xf32, #tpu.memory_space<hbm>>)
        %add3A_495 = arith.constant 8 : i32
        %add3A_496 = arith.addi %mul3A_226, %add3A_495 : i32
        %add3A_497 = arith.constant 0 : i32
        %add3A_498 = arith.addi %add3A_496, %add3A_497 : i32
        %dma_start3A_499 = arith.constant 0 : i32
        %dma_start3A_500 = arith.constant 0 : i32
        %dma_start3A_501 = arith.constant 0 : i32
        %dma_start3A_502 = tpu.memref_slice %arg6[%dma_start3A_499, %dma_start3A_500, %dma_start3A_501] : memref<8x128x64xf32, #tpu.memory_space<vmem>> -> memref<1x128x64xf32, #tpu.memory_space<vmem>>
        %dma_start3A_503 = tpu.memref_squeeze %dma_start3A_502 : memref<1x128x64xf32, #tpu.memory_space<vmem>> -> memref<128x64xf32, #tpu.memory_space<vmem>>
        %dma_start3A_504 = arith.constant 0 : i32
        %dma_start3A_505 = tpu.memref_slice %arg5[%add3A_498, %dma_start3A_504] : memref<200x128xi32, #tpu.memory_space<vmem>> -> memref<1x128xi32, #tpu.memory_space<vmem>>
        %dma_start3A_506 = tpu.memref_squeeze %dma_start3A_505 : memref<1x128xi32, #tpu.memory_space<vmem>> -> memref<128xi32, #tpu.memory_space<vmem>>
        %dma_start3A_507 = arith.constant 0 : i32
        %dma_start3A_508 = arith.constant 0 : i32
        %dma_start3A_509 = tpu.memref_slice %arg3[%dma_start3A_507, %dma_start3A_508] : memref<1000000x64xf32, #tpu.memory_space<hbm>> -> memref<1000000x64xf32, #tpu.memory_space<hbm>>
        tpu.enqueue_indirect_dma source(%dma_start3A_509 : memref<1000000x64xf32, #tpu.memory_space<hbm>>) target(%dma_start3A_503 : memref<128x64xf32, #tpu.memory_space<vmem>>) offsets(%dma_start3A_506 : memref<128xi32, #tpu.memory_space<vmem>>) semaphore(%arg7 : memref<!tpu.dma_semaphore, #tpu.memory_space<semaphore_mem>>)
        %add3A_510 = arith.constant 1 : i32
        %add3A_511 = arith.addi %mul3A_226, %add3A_510 : i32
        %mul3A_512 = arith.constant 128 : i32
        %mul3A_513 = arith.muli %add3A_511, %mul3A_512 : i32
        %add3A_514 = arith.addi %mul3A_4, %mul3A_513 : i32
        %dma_wait3A_515 = arith.constant 1 : i32
        %dma_wait3A_516 = arith.constant 0 : i32
        %dma_wait3A_517 = arith.constant 0 : i32
        %dma_wait3A_518 = tpu.memref_slice %arg6[%dma_wait3A_515, %dma_wait3A_516, %dma_wait3A_517] : memref<8x128x64xf32, #tpu.memory_space<vmem>> -> memref<1x128x64xf32, #tpu.memory_space<vmem>>
        %dma_wait3A_519 = tpu.memref_squeeze %dma_wait3A_518 : memref<1x128x64xf32, #tpu.memory_space<vmem>> -> memref<128x64xf32, #tpu.memory_space<vmem>>
        %dma_wait3A_520 = arith.constant 0 : i32
        %dma_wait3A_521 = tpu.memref_slice %arg4[%add3A_514, %dma_wait3A_520] : memref<819200x64xf32, #tpu.memory_space<hbm>> -> memref<128x64xf32, #tpu.memory_space<hbm>>
        %dma_wait3A_522 = arith.constant 0 : i32
        %dma_wait3A_523 = tpu.memref_slice %arg4[%add3A_514, %dma_wait3A_522] : memref<819200x64xf32, #tpu.memory_space<hbm>> -> memref<128x64xf32, #tpu.memory_space<hbm>>
        %dma_wait3A_524 = arith.constant 0 : i32
        %dma_wait3A_525 = arith.constant 0 : i32
        %dma_wait3A_526 = tpu.memref_slice %arg6[%dma_wait3A_515, %dma_wait3A_524, %dma_wait3A_525] : memref<8x128x64xf32, #tpu.memory_space<vmem>> -> memref<1x128x64xf32, #tpu.memory_space<vmem>>
        %dma_wait3A_527 = tpu.memref_squeeze %dma_wait3A_526 : memref<1x128x64xf32, #tpu.memory_space<vmem>> -> memref<128x64xf32, #tpu.memory_space<vmem>>
        tpu.wait_dma2 semaphore(%arg16 : memref<!tpu.dma_semaphore, #tpu.memory_space<semaphore_mem>>) src(%dma_wait3A_527 : memref<128x64xf32, #tpu.memory_space<vmem>>) dst(%dma_wait3A_523 : memref<128x64xf32, #tpu.memory_space<hbm>>)
        %add3A_528 = arith.constant 8 : i32
        %add3A_529 = arith.addi %mul3A_226, %add3A_528 : i32
        %add3A_530 = arith.constant 1 : i32
        %add3A_531 = arith.addi %add3A_529, %add3A_530 : i32
        %dma_start3A_532 = arith.constant 1 : i32
        %dma_start3A_533 = arith.constant 0 : i32
        %dma_start3A_534 = arith.constant 0 : i32
        %dma_start3A_535 = tpu.memref_slice %arg6[%dma_start3A_532, %dma_start3A_533, %dma_start3A_534] : memref<8x128x64xf32, #tpu.memory_space<vmem>> -> memref<1x128x64xf32, #tpu.memory_space<vmem>>
        %dma_start3A_536 = tpu.memref_squeeze %dma_start3A_535 : memref<1x128x64xf32, #tpu.memory_space<vmem>> -> memref<128x64xf32, #tpu.memory_space<vmem>>
        %dma_start3A_537 = arith.constant 0 : i32
        %dma_start3A_538 = tpu.memref_slice %arg5[%add3A_531, %dma_start3A_537] : memref<200x128xi32, #tpu.memory_space<vmem>> -> memref<1x128xi32, #tpu.memory_space<vmem>>
        %dma_start3A_539 = tpu.memref_squeeze %dma_start3A_538 : memref<1x128xi32, #tpu.memory_space<vmem>> -> memref<128xi32, #tpu.memory_space<vmem>>
        %dma_start3A_540 = arith.constant 0 : i32
        %dma_start3A_541 = arith.constant 0 : i32
        %dma_start3A_542 = tpu.memref_slice %arg3[%dma_start3A_540, %dma_start3A_541] : memref<1000000x64xf32, #tpu.memory_space<hbm>> -> memref<1000000x64xf32, #tpu.memory_space<hbm>>
        tpu.enqueue_indirect_dma source(%dma_start3A_542 : memref<1000000x64xf32, #tpu.memory_space<hbm>>) target(%dma_start3A_536 : memref<128x64xf32, #tpu.memory_space<vmem>>) offsets(%dma_start3A_539 : memref<128xi32, #tpu.memory_space<vmem>>) semaphore(%arg8 : memref<!tpu.dma_semaphore, #tpu.memory_space<semaphore_mem>>)
        %add3A_543 = arith.constant 2 : i32
        %add3A_544 = arith.addi %mul3A_226, %add3A_543 : i32
        %mul3A_545 = arith.constant 128 : i32
        %mul3A_546 = arith.muli %add3A_544, %mul3A_545 : i32
        %add3A_547 = arith.addi %mul3A_4, %mul3A_546 : i32
        %dma_wait3A_548 = arith.constant 2 : i32
        %dma_wait3A_549 = arith.constant 0 : i32
        %dma_wait3A_550 = arith.constant 0 : i32
        %dma_wait3A_551 = tpu.memref_slice %arg6[%dma_wait3A_548, %dma_wait3A_549, %dma_wait3A_550] : memref<8x128x64xf32, #tpu.memory_space<vmem>> -> memref<1x128x64xf32, #tpu.memory_space<vmem>>
        %dma_wait3A_552 = tpu.memref_squeeze %dma_wait3A_551 : memref<1x128x64xf32, #tpu.memory_space<vmem>> -> memref<128x64xf32, #tpu.memory_space<vmem>>
        %dma_wait3A_553 = arith.constant 0 : i32
        %dma_wait3A_554 = tpu.memref_slice %arg4[%add3A_547, %dma_wait3A_553] : memref<819200x64xf32, #tpu.memory_space<hbm>> -> memref<128x64xf32, #tpu.memory_space<hbm>>
        %dma_wait3A_555 = arith.constant 0 : i32
        %dma_wait3A_556 = tpu.memref_slice %arg4[%add3A_547, %dma_wait3A_555] : memref<819200x64xf32, #tpu.memory_space<hbm>> -> memref<128x64xf32, #tpu.memory_space<hbm>>
        %dma_wait3A_557 = arith.constant 0 : i32
        %dma_wait3A_558 = arith.constant 0 : i32
        %dma_wait3A_559 = tpu.memref_slice %arg6[%dma_wait3A_548, %dma_wait3A_557, %dma_wait3A_558] : memref<8x128x64xf32, #tpu.memory_space<vmem>> -> memref<1x128x64xf32, #tpu.memory_space<vmem>>
        %dma_wait3A_560 = tpu.memref_squeeze %dma_wait3A_559 : memref<1x128x64xf32, #tpu.memory_space<vmem>> -> memref<128x64xf32, #tpu.memory_space<vmem>>
        tpu.wait_dma2 semaphore(%arg17 : memref<!tpu.dma_semaphore, #tpu.memory_space<semaphore_mem>>) src(%dma_wait3A_560 : memref<128x64xf32, #tpu.memory_space<vmem>>) dst(%dma_wait3A_556 : memref<128x64xf32, #tpu.memory_space<hbm>>)
        %add3A_561 = arith.constant 8 : i32
        %add3A_562 = arith.addi %mul3A_226, %add3A_561 : i32
        %add3A_563 = arith.constant 2 : i32
        %add3A_564 = arith.addi %add3A_562, %add3A_563 : i32
        %dma_start3A_565 = arith.constant 2 : i32
        %dma_start3A_566 = arith.constant 0 : i32
        %dma_start3A_567 = arith.constant 0 : i32
        %dma_start3A_568 = tpu.memref_slice %arg6[%dma_start3A_565, %dma_start3A_566, %dma_start3A_567] : memref<8x128x64xf32, #tpu.memory_space<vmem>> -> memref<1x128x64xf32, #tpu.memory_space<vmem>>
        %dma_start3A_569 = tpu.memref_squeeze %dma_start3A_568 : memref<1x128x64xf32, #tpu.memory_space<vmem>> -> memref<128x64xf32, #tpu.memory_space<vmem>>
        %dma_start3A_570 = arith.constant 0 : i32
        %dma_start3A_571 = tpu.memref_slice %arg5[%add3A_564, %dma_start3A_570] : memref<200x128xi32, #tpu.memory_space<vmem>> -> memref<1x128xi32, #tpu.memory_space<vmem>>
        %dma_start3A_572 = tpu.memref_squeeze %dma_start3A_571 : memref<1x128xi32, #tpu.memory_space<vmem>> -> memref<128xi32, #tpu.memory_space<vmem>>
        %dma_start3A_573 = arith.constant 0 : i32
        %dma_start3A_574 = arith.constant 0 : i32
        %dma_start3A_575 = tpu.memref_slice %arg3[%dma_start3A_573, %dma_start3A_574] : memref<1000000x64xf32, #tpu.memory_space<hbm>> -> memref<1000000x64xf32, #tpu.memory_space<hbm>>
        tpu.enqueue_indirect_dma source(%dma_start3A_575 : memref<1000000x64xf32, #tpu.memory_space<hbm>>) target(%dma_start3A_569 : memref<128x64xf32, #tpu.memory_space<vmem>>) offsets(%dma_start3A_572 : memref<128xi32, #tpu.memory_space<vmem>>) semaphore(%arg9 : memref<!tpu.dma_semaphore, #tpu.memory_space<semaphore_mem>>)
        %add3A_576 = arith.constant 3 : i32
        %add3A_577 = arith.addi %mul3A_226, %add3A_576 : i32
        %mul3A_578 = arith.constant 128 : i32
        %mul3A_579 = arith.muli %add3A_577, %mul3A_578 : i32
        %add3A_580 = arith.addi %mul3A_4, %mul3A_579 : i32
        %dma_wait3A_581 = arith.constant 3 : i32
        %dma_wait3A_582 = arith.constant 0 : i32
        %dma_wait3A_583 = arith.constant 0 : i32
        %dma_wait3A_584 = tpu.memref_slice %arg6[%dma_wait3A_581, %dma_wait3A_582, %dma_wait3A_583] : memref<8x128x64xf32, #tpu.memory_space<vmem>> -> memref<1x128x64xf32, #tpu.memory_space<vmem>>
        %dma_wait3A_585 = tpu.memref_squeeze %dma_wait3A_584 : memref<1x128x64xf32, #tpu.memory_space<vmem>> -> memref<128x64xf32, #tpu.memory_space<vmem>>
        %dma_wait3A_586 = arith.constant 0 : i32
        %dma_wait3A_587 = tpu.memref_slice %arg4[%add3A_580, %dma_wait3A_586] : memref<819200x64xf32, #tpu.memory_space<hbm>> -> memref<128x64xf32, #tpu.memory_space<hbm>>
        %dma_wait3A_588 = arith.constant 0 : i32
        %dma_wait3A_589 = tpu.memref_slice %arg4[%add3A_580, %dma_wait3A_588] : memref<819200x64xf32, #tpu.memory_space<hbm>> -> memref<128x64xf32, #tpu.memory_space<hbm>>
        %dma_wait3A_590 = arith.constant 0 : i32
        %dma_wait3A_591 = arith.constant 0 : i32
        %dma_wait3A_592 = tpu.memref_slice %arg6[%dma_wait3A_581, %dma_wait3A_590, %dma_wait3A_591] : memref<8x128x64xf32, #tpu.memory_space<vmem>> -> memref<1x128x64xf32, #tpu.memory_space<vmem>>
        %dma_wait3A_593 = tpu.memref_squeeze %dma_wait3A_592 : memref<1x128x64xf32, #tpu.memory_space<vmem>> -> memref<128x64xf32, #tpu.memory_space<vmem>>
        tpu.wait_dma2 semaphore(%arg18 : memref<!tpu.dma_semaphore, #tpu.memory_space<semaphore_mem>>) src(%dma_wait3A_593 : memref<128x64xf32, #tpu.memory_space<vmem>>) dst(%dma_wait3A_589 : memref<128x64xf32, #tpu.memory_space<hbm>>)
        %add3A_594 = arith.constant 8 : i32
        %add3A_595 = arith.addi %mul3A_226, %add3A_594 : i32
        %add3A_596 = arith.constant 3 : i32
        %add3A_597 = arith.addi %add3A_595, %add3A_596 : i32
        %dma_start3A_598 = arith.constant 3 : i32
        %dma_start3A_599 = arith.constant 0 : i32
        %dma_start3A_600 = arith.constant 0 : i32
        %dma_start3A_601 = tpu.memref_slice %arg6[%dma_start3A_598, %dma_start3A_599, %dma_start3A_600] : memref<8x128x64xf32, #tpu.memory_space<vmem>> -> memref<1x128x64xf32, #tpu.memory_space<vmem>>
        %dma_start3A_602 = tpu.memref_squeeze %dma_start3A_601 : memref<1x128x64xf32, #tpu.memory_space<vmem>> -> memref<128x64xf32, #tpu.memory_space<vmem>>
        %dma_start3A_603 = arith.constant 0 : i32
        %dma_start3A_604 = tpu.memref_slice %arg5[%add3A_597, %dma_start3A_603] : memref<200x128xi32, #tpu.memory_space<vmem>> -> memref<1x128xi32, #tpu.memory_space<vmem>>
        %dma_start3A_605 = tpu.memref_squeeze %dma_start3A_604 : memref<1x128xi32, #tpu.memory_space<vmem>> -> memref<128xi32, #tpu.memory_space<vmem>>
        %dma_start3A_606 = arith.constant 0 : i32
        %dma_start3A_607 = arith.constant 0 : i32
        %dma_start3A_608 = tpu.memref_slice %arg3[%dma_start3A_606, %dma_start3A_607] : memref<1000000x64xf32, #tpu.memory_space<hbm>> -> memref<1000000x64xf32, #tpu.memory_space<hbm>>
        tpu.enqueue_indirect_dma source(%dma_start3A_608 : memref<1000000x64xf32, #tpu.memory_space<hbm>>) target(%dma_start3A_602 : memref<128x64xf32, #tpu.memory_space<vmem>>) offsets(%dma_start3A_605 : memref<128xi32, #tpu.memory_space<vmem>>) semaphore(%arg10 : memref<!tpu.dma_semaphore, #tpu.memory_space<semaphore_mem>>)
        %add3A_609 = arith.constant 4 : i32
        %add3A_610 = arith.addi %mul3A_226, %add3A_609 : i32
        %mul3A_611 = arith.constant 128 : i32
        %mul3A_612 = arith.muli %add3A_610, %mul3A_611 : i32
        %add3A_613 = arith.addi %mul3A_4, %mul3A_612 : i32
        %dma_wait3A_614 = arith.constant 4 : i32
        %dma_wait3A_615 = arith.constant 0 : i32
        %dma_wait3A_616 = arith.constant 0 : i32
        %dma_wait3A_617 = tpu.memref_slice %arg6[%dma_wait3A_614, %dma_wait3A_615, %dma_wait3A_616] : memref<8x128x64xf32, #tpu.memory_space<vmem>> -> memref<1x128x64xf32, #tpu.memory_space<vmem>>
        %dma_wait3A_618 = tpu.memref_squeeze %dma_wait3A_617 : memref<1x128x64xf32, #tpu.memory_space<vmem>> -> memref<128x64xf32, #tpu.memory_space<vmem>>
        %dma_wait3A_619 = arith.constant 0 : i32
        %dma_wait3A_620 = tpu.memref_slice %arg4[%add3A_613, %dma_wait3A_619] : memref<819200x64xf32, #tpu.memory_space<hbm>> -> memref<128x64xf32, #tpu.memory_space<hbm>>
        %dma_wait3A_621 = arith.constant 0 : i32
        %dma_wait3A_622 = tpu.memref_slice %arg4[%add3A_613, %dma_wait3A_621] : memref<819200x64xf32, #tpu.memory_space<hbm>> -> memref<128x64xf32, #tpu.memory_space<hbm>>
        %dma_wait3A_623 = arith.constant 0 : i32
        %dma_wait3A_624 = arith.constant 0 : i32
        %dma_wait3A_625 = tpu.memref_slice %arg6[%dma_wait3A_614, %dma_wait3A_623, %dma_wait3A_624] : memref<8x128x64xf32, #tpu.memory_space<vmem>> -> memref<1x128x64xf32, #tpu.memory_space<vmem>>
        %dma_wait3A_626 = tpu.memref_squeeze %dma_wait3A_625 : memref<1x128x64xf32, #tpu.memory_space<vmem>> -> memref<128x64xf32, #tpu.memory_space<vmem>>
        tpu.wait_dma2 semaphore(%arg19 : memref<!tpu.dma_semaphore, #tpu.memory_space<semaphore_mem>>) src(%dma_wait3A_626 : memref<128x64xf32, #tpu.memory_space<vmem>>) dst(%dma_wait3A_622 : memref<128x64xf32, #tpu.memory_space<hbm>>)
        %add3A_627 = arith.constant 8 : i32
        %add3A_628 = arith.addi %mul3A_226, %add3A_627 : i32
        %add3A_629 = arith.constant 4 : i32
        %add3A_630 = arith.addi %add3A_628, %add3A_629 : i32
        %dma_start3A_631 = arith.constant 4 : i32
        %dma_start3A_632 = arith.constant 0 : i32
        %dma_start3A_633 = arith.constant 0 : i32
        %dma_start3A_634 = tpu.memref_slice %arg6[%dma_start3A_631, %dma_start3A_632, %dma_start3A_633] : memref<8x128x64xf32, #tpu.memory_space<vmem>> -> memref<1x128x64xf32, #tpu.memory_space<vmem>>
        %dma_start3A_635 = tpu.memref_squeeze %dma_start3A_634 : memref<1x128x64xf32, #tpu.memory_space<vmem>> -> memref<128x64xf32, #tpu.memory_space<vmem>>
        %dma_start3A_636 = arith.constant 0 : i32
        %dma_start3A_637 = tpu.memref_slice %arg5[%add3A_630, %dma_start3A_636] : memref<200x128xi32, #tpu.memory_space<vmem>> -> memref<1x128xi32, #tpu.memory_space<vmem>>
        %dma_start3A_638 = tpu.memref_squeeze %dma_start3A_637 : memref<1x128xi32, #tpu.memory_space<vmem>> -> memref<128xi32, #tpu.memory_space<vmem>>
        %dma_start3A_639 = arith.constant 0 : i32
        %dma_start3A_640 = arith.constant 0 : i32
        %dma_start3A_641 = tpu.memref_slice %arg3[%dma_start3A_639, %dma_start3A_640] : memref<1000000x64xf32, #tpu.memory_space<hbm>> -> memref<1000000x64xf32, #tpu.memory_space<hbm>>
        tpu.enqueue_indirect_dma source(%dma_start3A_641 : memref<1000000x64xf32, #tpu.memory_space<hbm>>) target(%dma_start3A_635 : memref<128x64xf32, #tpu.memory_space<vmem>>) offsets(%dma_start3A_638 : memref<128xi32, #tpu.memory_space<vmem>>) semaphore(%arg11 : memref<!tpu.dma_semaphore, #tpu.memory_space<semaphore_mem>>)
        %add3A_642 = arith.constant 5 : i32
        %add3A_643 = arith.addi %mul3A_226, %add3A_642 : i32
        %mul3A_644 = arith.constant 128 : i32
        %mul3A_645 = arith.muli %add3A_643, %mul3A_644 : i32
        %add3A_646 = arith.addi %mul3A_4, %mul3A_645 : i32
        %dma_wait3A_647 = arith.constant 5 : i32
        %dma_wait3A_648 = arith.constant 0 : i32
        %dma_wait3A_649 = arith.constant 0 : i32
        %dma_wait3A_650 = tpu.memref_slice %arg6[%dma_wait3A_647, %dma_wait3A_648, %dma_wait3A_649] : memref<8x128x64xf32, #tpu.memory_space<vmem>> -> memref<1x128x64xf32, #tpu.memory_space<vmem>>
        %dma_wait3A_651 = tpu.memref_squeeze %dma_wait3A_650 : memref<1x128x64xf32, #tpu.memory_space<vmem>> -> memref<128x64xf32, #tpu.memory_space<vmem>>
        %dma_wait3A_652 = arith.constant 0 : i32
        %dma_wait3A_653 = tpu.memref_slice %arg4[%add3A_646, %dma_wait3A_652] : memref<819200x64xf32, #tpu.memory_space<hbm>> -> memref<128x64xf32, #tpu.memory_space<hbm>>
        %dma_wait3A_654 = arith.constant 0 : i32
        %dma_wait3A_655 = tpu.memref_slice %arg4[%add3A_646, %dma_wait3A_654] : memref<819200x64xf32, #tpu.memory_space<hbm>> -> memref<128x64xf32, #tpu.memory_space<hbm>>
        %dma_wait3A_656 = arith.constant 0 : i32
        %dma_wait3A_657 = arith.constant 0 : i32
        %dma_wait3A_658 = tpu.memref_slice %arg6[%dma_wait3A_647, %dma_wait3A_656, %dma_wait3A_657] : memref<8x128x64xf32, #tpu.memory_space<vmem>> -> memref<1x128x64xf32, #tpu.memory_space<vmem>>
        %dma_wait3A_659 = tpu.memref_squeeze %dma_wait3A_658 : memref<1x128x64xf32, #tpu.memory_space<vmem>> -> memref<128x64xf32, #tpu.memory_space<vmem>>
        tpu.wait_dma2 semaphore(%arg20 : memref<!tpu.dma_semaphore, #tpu.memory_space<semaphore_mem>>) src(%dma_wait3A_659 : memref<128x64xf32, #tpu.memory_space<vmem>>) dst(%dma_wait3A_655 : memref<128x64xf32, #tpu.memory_space<hbm>>)
        %add3A_660 = arith.constant 8 : i32
        %add3A_661 = arith.addi %mul3A_226, %add3A_660 : i32
        %add3A_662 = arith.constant 5 : i32
        %add3A_663 = arith.addi %add3A_661, %add3A_662 : i32
        %dma_start3A_664 = arith.constant 5 : i32
        %dma_start3A_665 = arith.constant 0 : i32
        %dma_start3A_666 = arith.constant 0 : i32
        %dma_start3A_667 = tpu.memref_slice %arg6[%dma_start3A_664, %dma_start3A_665, %dma_start3A_666] : memref<8x128x64xf32, #tpu.memory_space<vmem>> -> memref<1x128x64xf32, #tpu.memory_space<vmem>>
        %dma_start3A_668 = tpu.memref_squeeze %dma_start3A_667 : memref<1x128x64xf32, #tpu.memory_space<vmem>> -> memref<128x64xf32, #tpu.memory_space<vmem>>
        %dma_start3A_669 = arith.constant 0 : i32
        %dma_start3A_670 = tpu.memref_slice %arg5[%add3A_663, %dma_start3A_669] : memref<200x128xi32, #tpu.memory_space<vmem>> -> memref<1x128xi32, #tpu.memory_space<vmem>>
        %dma_start3A_671 = tpu.memref_squeeze %dma_start3A_670 : memref<1x128xi32, #tpu.memory_space<vmem>> -> memref<128xi32, #tpu.memory_space<vmem>>
        %dma_start3A_672 = arith.constant 0 : i32
        %dma_start3A_673 = arith.constant 0 : i32
        %dma_start3A_674 = tpu.memref_slice %arg3[%dma_start3A_672, %dma_start3A_673] : memref<1000000x64xf32, #tpu.memory_space<hbm>> -> memref<1000000x64xf32, #tpu.memory_space<hbm>>
        tpu.enqueue_indirect_dma source(%dma_start3A_674 : memref<1000000x64xf32, #tpu.memory_space<hbm>>) target(%dma_start3A_668 : memref<128x64xf32, #tpu.memory_space<vmem>>) offsets(%dma_start3A_671 : memref<128xi32, #tpu.memory_space<vmem>>) semaphore(%arg12 : memref<!tpu.dma_semaphore, #tpu.memory_space<semaphore_mem>>)
        %add3A_675 = arith.constant 6 : i32
        %add3A_676 = arith.addi %mul3A_226, %add3A_675 : i32
        %mul3A_677 = arith.constant 128 : i32
        %mul3A_678 = arith.muli %add3A_676, %mul3A_677 : i32
        %add3A_679 = arith.addi %mul3A_4, %mul3A_678 : i32
        %dma_wait3A_680 = arith.constant 6 : i32
        %dma_wait3A_681 = arith.constant 0 : i32
        %dma_wait3A_682 = arith.constant 0 : i32
        %dma_wait3A_683 = tpu.memref_slice %arg6[%dma_wait3A_680, %dma_wait3A_681, %dma_wait3A_682] : memref<8x128x64xf32, #tpu.memory_space<vmem>> -> memref<1x128x64xf32, #tpu.memory_space<vmem>>
        %dma_wait3A_684 = tpu.memref_squeeze %dma_wait3A_683 : memref<1x128x64xf32, #tpu.memory_space<vmem>> -> memref<128x64xf32, #tpu.memory_space<vmem>>
        %dma_wait3A_685 = arith.constant 0 : i32
        %dma_wait3A_686 = tpu.memref_slice %arg4[%add3A_679, %dma_wait3A_685] : memref<819200x64xf32, #tpu.memory_space<hbm>> -> memref<128x64xf32, #tpu.memory_space<hbm>>
        %dma_wait3A_687 = arith.constant 0 : i32
        %dma_wait3A_688 = tpu.memref_slice %arg4[%add3A_679, %dma_wait3A_687] : memref<819200x64xf32, #tpu.memory_space<hbm>> -> memref<128x64xf32, #tpu.memory_space<hbm>>
        %dma_wait3A_689 = arith.constant 0 : i32
        %dma_wait3A_690 = arith.constant 0 : i32
        %dma_wait3A_691 = tpu.memref_slice %arg6[%dma_wait3A_680, %dma_wait3A_689, %dma_wait3A_690] : memref<8x128x64xf32, #tpu.memory_space<vmem>> -> memref<1x128x64xf32, #tpu.memory_space<vmem>>
        %dma_wait3A_692 = tpu.memref_squeeze %dma_wait3A_691 : memref<1x128x64xf32, #tpu.memory_space<vmem>> -> memref<128x64xf32, #tpu.memory_space<vmem>>
        tpu.wait_dma2 semaphore(%arg21 : memref<!tpu.dma_semaphore, #tpu.memory_space<semaphore_mem>>) src(%dma_wait3A_692 : memref<128x64xf32, #tpu.memory_space<vmem>>) dst(%dma_wait3A_688 : memref<128x64xf32, #tpu.memory_space<hbm>>)
        %add3A_693 = arith.constant 8 : i32
        %add3A_694 = arith.addi %mul3A_226, %add3A_693 : i32
        %add3A_695 = arith.constant 6 : i32
        %add3A_696 = arith.addi %add3A_694, %add3A_695 : i32
        %dma_start3A_697 = arith.constant 6 : i32
        %dma_start3A_698 = arith.constant 0 : i32
        %dma_start3A_699 = arith.constant 0 : i32
        %dma_start3A_700 = tpu.memref_slice %arg6[%dma_start3A_697, %dma_start3A_698, %dma_start3A_699] : memref<8x128x64xf32, #tpu.memory_space<vmem>> -> memref<1x128x64xf32, #tpu.memory_space<vmem>>
        %dma_start3A_701 = tpu.memref_squeeze %dma_start3A_700 : memref<1x128x64xf32, #tpu.memory_space<vmem>> -> memref<128x64xf32, #tpu.memory_space<vmem>>
        %dma_start3A_702 = arith.constant 0 : i32
        %dma_start3A_703 = tpu.memref_slice %arg5[%add3A_696, %dma_start3A_702] : memref<200x128xi32, #tpu.memory_space<vmem>> -> memref<1x128xi32, #tpu.memory_space<vmem>>
        %dma_start3A_704 = tpu.memref_squeeze %dma_start3A_703 : memref<1x128xi32, #tpu.memory_space<vmem>> -> memref<128xi32, #tpu.memory_space<vmem>>
        %dma_start3A_705 = arith.constant 0 : i32
        %dma_start3A_706 = arith.constant 0 : i32
        %dma_start3A_707 = tpu.memref_slice %arg3[%dma_start3A_705, %dma_start3A_706] : memref<1000000x64xf32, #tpu.memory_space<hbm>> -> memref<1000000x64xf32, #tpu.memory_space<hbm>>
        tpu.enqueue_indirect_dma source(%dma_start3A_707 : memref<1000000x64xf32, #tpu.memory_space<hbm>>) target(%dma_start3A_701 : memref<128x64xf32, #tpu.memory_space<vmem>>) offsets(%dma_start3A_704 : memref<128xi32, #tpu.memory_space<vmem>>) semaphore(%arg13 : memref<!tpu.dma_semaphore, #tpu.memory_space<semaphore_mem>>)
        %add3A_708 = arith.constant 7 : i32
        %add3A_709 = arith.addi %mul3A_226, %add3A_708 : i32
        %mul3A_710 = arith.constant 128 : i32
        %mul3A_711 = arith.muli %add3A_709, %mul3A_710 : i32
        %add3A_712 = arith.addi %mul3A_4, %mul3A_711 : i32
        %dma_wait3A_713 = arith.constant 7 : i32
        %dma_wait3A_714 = arith.constant 0 : i32
        %dma_wait3A_715 = arith.constant 0 : i32
        %dma_wait3A_716 = tpu.memref_slice %arg6[%dma_wait3A_713, %dma_wait3A_714, %dma_wait3A_715] : memref<8x128x64xf32, #tpu.memory_space<vmem>> -> memref<1x128x64xf32, #tpu.memory_space<vmem>>
        %dma_wait3A_717 = tpu.memref_squeeze %dma_wait3A_716 : memref<1x128x64xf32, #tpu.memory_space<vmem>> -> memref<128x64xf32, #tpu.memory_space<vmem>>
        %dma_wait3A_718 = arith.constant 0 : i32
        %dma_wait3A_719 = tpu.memref_slice %arg4[%add3A_712, %dma_wait3A_718] : memref<819200x64xf32, #tpu.memory_space<hbm>> -> memref<128x64xf32, #tpu.memory_space<hbm>>
        %dma_wait3A_720 = arith.constant 0 : i32
        %dma_wait3A_721 = tpu.memref_slice %arg4[%add3A_712, %dma_wait3A_720] : memref<819200x64xf32, #tpu.memory_space<hbm>> -> memref<128x64xf32, #tpu.memory_space<hbm>>
        %dma_wait3A_722 = arith.constant 0 : i32
        %dma_wait3A_723 = arith.constant 0 : i32
        %dma_wait3A_724 = tpu.memref_slice %arg6[%dma_wait3A_713, %dma_wait3A_722, %dma_wait3A_723] : memref<8x128x64xf32, #tpu.memory_space<vmem>> -> memref<1x128x64xf32, #tpu.memory_space<vmem>>
        %dma_wait3A_725 = tpu.memref_squeeze %dma_wait3A_724 : memref<1x128x64xf32, #tpu.memory_space<vmem>> -> memref<128x64xf32, #tpu.memory_space<vmem>>
        tpu.wait_dma2 semaphore(%arg22 : memref<!tpu.dma_semaphore, #tpu.memory_space<semaphore_mem>>) src(%dma_wait3A_725 : memref<128x64xf32, #tpu.memory_space<vmem>>) dst(%dma_wait3A_721 : memref<128x64xf32, #tpu.memory_space<hbm>>)
        %add3A_726 = arith.constant 8 : i32
        %add3A_727 = arith.addi %mul3A_226, %add3A_726 : i32
        %add3A_728 = arith.constant 7 : i32
        %add3A_729 = arith.addi %add3A_727, %add3A_728 : i32
        %dma_start3A_730 = arith.constant 7 : i32
        %dma_start3A_731 = arith.constant 0 : i32
        %dma_start3A_732 = arith.constant 0 : i32
        %dma_start3A_733 = tpu.memref_slice %arg6[%dma_start3A_730, %dma_start3A_731, %dma_start3A_732] : memref<8x128x64xf32, #tpu.memory_space<vmem>> -> memref<1x128x64xf32, #tpu.memory_space<vmem>>
        %dma_start3A_734 = tpu.memref_squeeze %dma_start3A_733 : memref<1x128x64xf32, #tpu.memory_space<vmem>> -> memref<128x64xf32, #tpu.memory_space<vmem>>
        %dma_start3A_735 = arith.constant 0 : i32
        %dma_start3A_736 = tpu.memref_slice %arg5[%add3A_729, %dma_start3A_735] : memref<200x128xi32, #tpu.memory_space<vmem>> -> memref<1x128xi32, #tpu.memory_space<vmem>>
        %dma_start3A_737 = tpu.memref_squeeze %dma_start3A_736 : memref<1x128xi32, #tpu.memory_space<vmem>> -> memref<128xi32, #tpu.memory_space<vmem>>
        %dma_start3A_738 = arith.constant 0 : i32
        %dma_start3A_739 = arith.constant 0 : i32
        %dma_start3A_740 = tpu.memref_slice %arg3[%dma_start3A_738, %dma_start3A_739] : memref<1000000x64xf32, #tpu.memory_space<hbm>> -> memref<1000000x64xf32, #tpu.memory_space<hbm>>
        tpu.enqueue_indirect_dma source(%dma_start3A_740 : memref<1000000x64xf32, #tpu.memory_space<hbm>>) target(%dma_start3A_734 : memref<128x64xf32, #tpu.memory_space<vmem>>) offsets(%dma_start3A_737 : memref<128xi32, #tpu.memory_space<vmem>>) semaphore(%arg14 : memref<!tpu.dma_semaphore, #tpu.memory_space<semaphore_mem>>)
      } else {
      }
    }
    %scan3A_104 = arith.constant 25 : i32
    %add3A_105 = arith.constant 24576 : i32
    %add3A_106 = arith.addi %mul3A_4, %add3A_105 : i32
    %dma_wait3A = arith.constant 0 : i32
    %dma_wait3A_107 = arith.constant 0 : i32
    %dma_wait3A_108 = arith.constant 0 : i32
    %dma_wait3A_109 = tpu.memref_slice %arg6[%dma_wait3A, %dma_wait3A_107, %dma_wait3A_108] : memref<8x128x64xf32, #tpu.memory_space<vmem>> -> memref<1x128x64xf32, #tpu.memory_space<vmem>>
    %dma_wait3A_110 = tpu.memref_squeeze %dma_wait3A_109 : memref<1x128x64xf32, #tpu.memory_space<vmem>> -> memref<128x64xf32, #tpu.memory_space<vmem>>
    %dma_wait3A_111 = arith.constant 0 : i32
    %dma_wait3A_112 = tpu.memref_slice %arg4[%add3A_106, %dma_wait3A_111] : memref<819200x64xf32, #tpu.memory_space<hbm>> -> memref<128x64xf32, #tpu.memory_space<hbm>>
    %dma_wait3A_113 = arith.constant 0 : i32
    %dma_wait3A_114 = tpu.memref_slice %arg4[%add3A_106, %dma_wait3A_113] : memref<819200x64xf32, #tpu.memory_space<hbm>> -> memref<128x64xf32, #tpu.memory_space<hbm>>
    %dma_wait3A_115 = arith.constant 0 : i32
    %dma_wait3A_116 = arith.constant 0 : i32
    %dma_wait3A_117 = tpu.memref_slice %arg6[%dma_wait3A, %dma_wait3A_115, %dma_wait3A_116] : memref<8x128x64xf32, #tpu.memory_space<vmem>> -> memref<1x128x64xf32, #tpu.memory_space<vmem>>
    %dma_wait3A_118 = tpu.memref_squeeze %dma_wait3A_117 : memref<1x128x64xf32, #tpu.memory_space<vmem>> -> memref<128x64xf32, #tpu.memory_space<vmem>>
    tpu.wait_dma2 semaphore(%arg15 : memref<!tpu.dma_semaphore, #tpu.memory_space<semaphore_mem>>) src(%dma_wait3A_118 : memref<128x64xf32, #tpu.memory_space<vmem>>) dst(%dma_wait3A_114 : memref<128x64xf32, #tpu.memory_space<hbm>>)
    %add3A_119 = arith.constant 24704 : i32
    %add3A_120 = arith.addi %mul3A_4, %add3A_119 : i32
    %dma_wait3A_121 = arith.constant 1 : i32
    %dma_wait3A_122 = arith.constant 0 : i32
    %dma_wait3A_123 = arith.constant 0 : i32
    %dma_wait3A_124 = tpu.memref_slice %arg6[%dma_wait3A_121, %dma_wait3A_122, %dma_wait3A_123] : memref<8x128x64xf32, #tpu.memory_space<vmem>> -> memref<1x128x64xf32, #tpu.memory_space<vmem>>
    %dma_wait3A_125 = tpu.memref_squeeze %dma_wait3A_124 : memref<1x128x64xf32, #tpu.memory_space<vmem>> -> memref<128x64xf32, #tpu.memory_space<vmem>>
    %dma_wait3A_126 = arith.constant 0 : i32
    %dma_wait3A_127 = tpu.memref_slice %arg4[%add3A_120, %dma_wait3A_126] : memref<819200x64xf32, #tpu.memory_space<hbm>> -> memref<128x64xf32, #tpu.memory_space<hbm>>
    %dma_wait3A_128 = arith.constant 0 : i32
    %dma_wait3A_129 = tpu.memref_slice %arg4[%add3A_120, %dma_wait3A_128] : memref<819200x64xf32, #tpu.memory_space<hbm>> -> memref<128x64xf32, #tpu.memory_space<hbm>>
    %dma_wait3A_130 = arith.constant 0 : i32
    %dma_wait3A_131 = arith.constant 0 : i32
    %dma_wait3A_132 = tpu.memref_slice %arg6[%dma_wait3A_121, %dma_wait3A_130, %dma_wait3A_131] : memref<8x128x64xf32, #tpu.memory_space<vmem>> -> memref<1x128x64xf32, #tpu.memory_space<vmem>>
    %dma_wait3A_133 = tpu.memref_squeeze %dma_wait3A_132 : memref<1x128x64xf32, #tpu.memory_space<vmem>> -> memref<128x64xf32, #tpu.memory_space<vmem>>
    tpu.wait_dma2 semaphore(%arg16 : memref<!tpu.dma_semaphore, #tpu.memory_space<semaphore_mem>>) src(%dma_wait3A_133 : memref<128x64xf32, #tpu.memory_space<vmem>>) dst(%dma_wait3A_129 : memref<128x64xf32, #tpu.memory_space<hbm>>)
    %add3A_134 = arith.constant 24832 : i32
    %add3A_135 = arith.addi %mul3A_4, %add3A_134 : i32
    %dma_wait3A_136 = arith.constant 2 : i32
    %dma_wait3A_137 = arith.constant 0 : i32
    %dma_wait3A_138 = arith.constant 0 : i32
    %dma_wait3A_139 = tpu.memref_slice %arg6[%dma_wait3A_136, %dma_wait3A_137, %dma_wait3A_138] : memref<8x128x64xf32, #tpu.memory_space<vmem>> -> memref<1x128x64xf32, #tpu.memory_space<vmem>>
    %dma_wait3A_140 = tpu.memref_squeeze %dma_wait3A_139 : memref<1x128x64xf32, #tpu.memory_space<vmem>> -> memref<128x64xf32, #tpu.memory_space<vmem>>
    %dma_wait3A_141 = arith.constant 0 : i32
    %dma_wait3A_142 = tpu.memref_slice %arg4[%add3A_135, %dma_wait3A_141] : memref<819200x64xf32, #tpu.memory_space<hbm>> -> memref<128x64xf32, #tpu.memory_space<hbm>>
    %dma_wait3A_143 = arith.constant 0 : i32
    %dma_wait3A_144 = tpu.memref_slice %arg4[%add3A_135, %dma_wait3A_143] : memref<819200x64xf32, #tpu.memory_space<hbm>> -> memref<128x64xf32, #tpu.memory_space<hbm>>
    %dma_wait3A_145 = arith.constant 0 : i32
    %dma_wait3A_146 = arith.constant 0 : i32
    %dma_wait3A_147 = tpu.memref_slice %arg6[%dma_wait3A_136, %dma_wait3A_145, %dma_wait3A_146] : memref<8x128x64xf32, #tpu.memory_space<vmem>> -> memref<1x128x64xf32, #tpu.memory_space<vmem>>
    %dma_wait3A_148 = tpu.memref_squeeze %dma_wait3A_147 : memref<1x128x64xf32, #tpu.memory_space<vmem>> -> memref<128x64xf32, #tpu.memory_space<vmem>>
    tpu.wait_dma2 semaphore(%arg17 : memref<!tpu.dma_semaphore, #tpu.memory_space<semaphore_mem>>) src(%dma_wait3A_148 : memref<128x64xf32, #tpu.memory_space<vmem>>) dst(%dma_wait3A_144 : memref<128x64xf32, #tpu.memory_space<hbm>>)
    %add3A_149 = arith.constant 24960 : i32
    %add3A_150 = arith.addi %mul3A_4, %add3A_149 : i32
    %dma_wait3A_151 = arith.constant 3 : i32
    %dma_wait3A_152 = arith.constant 0 : i32
    %dma_wait3A_153 = arith.constant 0 : i32
    %dma_wait3A_154 = tpu.memref_slice %arg6[%dma_wait3A_151, %dma_wait3A_152, %dma_wait3A_153] : memref<8x128x64xf32, #tpu.memory_space<vmem>> -> memref<1x128x64xf32, #tpu.memory_space<vmem>>
    %dma_wait3A_155 = tpu.memref_squeeze %dma_wait3A_154 : memref<1x128x64xf32, #tpu.memory_space<vmem>> -> memref<128x64xf32, #tpu.memory_space<vmem>>
    %dma_wait3A_156 = arith.constant 0 : i32
    %dma_wait3A_157 = tpu.memref_slice %arg4[%add3A_150, %dma_wait3A_156] : memref<819200x64xf32, #tpu.memory_space<hbm>> -> memref<128x64xf32, #tpu.memory_space<hbm>>
    %dma_wait3A_158 = arith.constant 0 : i32
    %dma_wait3A_159 = tpu.memref_slice %arg4[%add3A_150, %dma_wait3A_158] : memref<819200x64xf32, #tpu.memory_space<hbm>> -> memref<128x64xf32, #tpu.memory_space<hbm>>
    %dma_wait3A_160 = arith.constant 0 : i32
    %dma_wait3A_161 = arith.constant 0 : i32
    %dma_wait3A_162 = tpu.memref_slice %arg6[%dma_wait3A_151, %dma_wait3A_160, %dma_wait3A_161] : memref<8x128x64xf32, #tpu.memory_space<vmem>> -> memref<1x128x64xf32, #tpu.memory_space<vmem>>
    %dma_wait3A_163 = tpu.memref_squeeze %dma_wait3A_162 : memref<1x128x64xf32, #tpu.memory_space<vmem>> -> memref<128x64xf32, #tpu.memory_space<vmem>>
    tpu.wait_dma2 semaphore(%arg18 : memref<!tpu.dma_semaphore, #tpu.memory_space<semaphore_mem>>) src(%dma_wait3A_163 : memref<128x64xf32, #tpu.memory_space<vmem>>) dst(%dma_wait3A_159 : memref<128x64xf32, #tpu.memory_space<hbm>>)
    %add3A_164 = arith.constant 25088 : i32
    %add3A_165 = arith.addi %mul3A_4, %add3A_164 : i32
    %dma_wait3A_166 = arith.constant 4 : i32
    %dma_wait3A_167 = arith.constant 0 : i32
    %dma_wait3A_168 = arith.constant 0 : i32
    %dma_wait3A_169 = tpu.memref_slice %arg6[%dma_wait3A_166, %dma_wait3A_167, %dma_wait3A_168] : memref<8x128x64xf32, #tpu.memory_space<vmem>> -> memref<1x128x64xf32, #tpu.memory_space<vmem>>
    %dma_wait3A_170 = tpu.memref_squeeze %dma_wait3A_169 : memref<1x128x64xf32, #tpu.memory_space<vmem>> -> memref<128x64xf32, #tpu.memory_space<vmem>>
    %dma_wait3A_171 = arith.constant 0 : i32
    %dma_wait3A_172 = tpu.memref_slice %arg4[%add3A_165, %dma_wait3A_171] : memref<819200x64xf32, #tpu.memory_space<hbm>> -> memref<128x64xf32, #tpu.memory_space<hbm>>
    %dma_wait3A_173 = arith.constant 0 : i32
    %dma_wait3A_174 = tpu.memref_slice %arg4[%add3A_165, %dma_wait3A_173] : memref<819200x64xf32, #tpu.memory_space<hbm>> -> memref<128x64xf32, #tpu.memory_space<hbm>>
    %dma_wait3A_175 = arith.constant 0 : i32
    %dma_wait3A_176 = arith.constant 0 : i32
    %dma_wait3A_177 = tpu.memref_slice %arg6[%dma_wait3A_166, %dma_wait3A_175, %dma_wait3A_176] : memref<8x128x64xf32, #tpu.memory_space<vmem>> -> memref<1x128x64xf32, #tpu.memory_space<vmem>>
    %dma_wait3A_178 = tpu.memref_squeeze %dma_wait3A_177 : memref<1x128x64xf32, #tpu.memory_space<vmem>> -> memref<128x64xf32, #tpu.memory_space<vmem>>
    tpu.wait_dma2 semaphore(%arg19 : memref<!tpu.dma_semaphore, #tpu.memory_space<semaphore_mem>>) src(%dma_wait3A_178 : memref<128x64xf32, #tpu.memory_space<vmem>>) dst(%dma_wait3A_174 : memref<128x64xf32, #tpu.memory_space<hbm>>)
    %add3A_179 = arith.constant 25216 : i32
    %add3A_180 = arith.addi %mul3A_4, %add3A_179 : i32
    %dma_wait3A_181 = arith.constant 5 : i32
    %dma_wait3A_182 = arith.constant 0 : i32
    %dma_wait3A_183 = arith.constant 0 : i32
    %dma_wait3A_184 = tpu.memref_slice %arg6[%dma_wait3A_181, %dma_wait3A_182, %dma_wait3A_183] : memref<8x128x64xf32, #tpu.memory_space<vmem>> -> memref<1x128x64xf32, #tpu.memory_space<vmem>>
    %dma_wait3A_185 = tpu.memref_squeeze %dma_wait3A_184 : memref<1x128x64xf32, #tpu.memory_space<vmem>> -> memref<128x64xf32, #tpu.memory_space<vmem>>
    %dma_wait3A_186 = arith.constant 0 : i32
    %dma_wait3A_187 = tpu.memref_slice %arg4[%add3A_180, %dma_wait3A_186] : memref<819200x64xf32, #tpu.memory_space<hbm>> -> memref<128x64xf32, #tpu.memory_space<hbm>>
    %dma_wait3A_188 = arith.constant 0 : i32
    %dma_wait3A_189 = tpu.memref_slice %arg4[%add3A_180, %dma_wait3A_188] : memref<819200x64xf32, #tpu.memory_space<hbm>> -> memref<128x64xf32, #tpu.memory_space<hbm>>
    %dma_wait3A_190 = arith.constant 0 : i32
    %dma_wait3A_191 = arith.constant 0 : i32
    %dma_wait3A_192 = tpu.memref_slice %arg6[%dma_wait3A_181, %dma_wait3A_190, %dma_wait3A_191] : memref<8x128x64xf32, #tpu.memory_space<vmem>> -> memref<1x128x64xf32, #tpu.memory_space<vmem>>
    %dma_wait3A_193 = tpu.memref_squeeze %dma_wait3A_192 : memref<1x128x64xf32, #tpu.memory_space<vmem>> -> memref<128x64xf32, #tpu.memory_space<vmem>>
    tpu.wait_dma2 semaphore(%arg20 : memref<!tpu.dma_semaphore, #tpu.memory_space<semaphore_mem>>) src(%dma_wait3A_193 : memref<128x64xf32, #tpu.memory_space<vmem>>) dst(%dma_wait3A_189 : memref<128x64xf32, #tpu.memory_space<hbm>>)
    %add3A_194 = arith.constant 25344 : i32
    %add3A_195 = arith.addi %mul3A_4, %add3A_194 : i32
    %dma_wait3A_196 = arith.constant 6 : i32
    %dma_wait3A_197 = arith.constant 0 : i32
    %dma_wait3A_198 = arith.constant 0 : i32
    %dma_wait3A_199 = tpu.memref_slice %arg6[%dma_wait3A_196, %dma_wait3A_197, %dma_wait3A_198] : memref<8x128x64xf32, #tpu.memory_space<vmem>> -> memref<1x128x64xf32, #tpu.memory_space<vmem>>
    %dma_wait3A_200 = tpu.memref_squeeze %dma_wait3A_199 : memref<1x128x64xf32, #tpu.memory_space<vmem>> -> memref<128x64xf32, #tpu.memory_space<vmem>>
    %dma_wait3A_201 = arith.constant 0 : i32
    %dma_wait3A_202 = tpu.memref_slice %arg4[%add3A_195, %dma_wait3A_201] : memref<819200x64xf32, #tpu.memory_space<hbm>> -> memref<128x64xf32, #tpu.memory_space<hbm>>
    %dma_wait3A_203 = arith.constant 0 : i32
    %dma_wait3A_204 = tpu.memref_slice %arg4[%add3A_195, %dma_wait3A_203] : memref<819200x64xf32, #tpu.memory_space<hbm>> -> memref<128x64xf32, #tpu.memory_space<hbm>>
    %dma_wait3A_205 = arith.constant 0 : i32
    %dma_wait3A_206 = arith.constant 0 : i32
    %dma_wait3A_207 = tpu.memref_slice %arg6[%dma_wait3A_196, %dma_wait3A_205, %dma_wait3A_206] : memref<8x128x64xf32, #tpu.memory_space<vmem>> -> memref<1x128x64xf32, #tpu.memory_space<vmem>>
    %dma_wait3A_208 = tpu.memref_squeeze %dma_wait3A_207 : memref<1x128x64xf32, #tpu.memory_space<vmem>> -> memref<128x64xf32, #tpu.memory_space<vmem>>
    tpu.wait_dma2 semaphore(%arg21 : memref<!tpu.dma_semaphore, #tpu.memory_space<semaphore_mem>>) src(%dma_wait3A_208 : memref<128x64xf32, #tpu.memory_space<vmem>>) dst(%dma_wait3A_204 : memref<128x64xf32, #tpu.memory_space<hbm>>)
    %add3A_209 = arith.constant 25472 : i32
    %add3A_210 = arith.addi %mul3A_4, %add3A_209 : i32
    %dma_wait3A_211 = arith.constant 7 : i32
    %dma_wait3A_212 = arith.constant 0 : i32
    %dma_wait3A_213 = arith.constant 0 : i32
    %dma_wait3A_214 = tpu.memref_slice %arg6[%dma_wait3A_211, %dma_wait3A_212, %dma_wait3A_213] : memref<8x128x64xf32, #tpu.memory_space<vmem>> -> memref<1x128x64xf32, #tpu.memory_space<vmem>>
    %dma_wait3A_215 = tpu.memref_squeeze %dma_wait3A_214 : memref<1x128x64xf32, #tpu.memory_space<vmem>> -> memref<128x64xf32, #tpu.memory_space<vmem>>
    %dma_wait3A_216 = arith.constant 0 : i32
    %dma_wait3A_217 = tpu.memref_slice %arg4[%add3A_210, %dma_wait3A_216] : memref<819200x64xf32, #tpu.memory_space<hbm>> -> memref<128x64xf32, #tpu.memory_space<hbm>>
    %dma_wait3A_218 = arith.constant 0 : i32
    %dma_wait3A_219 = tpu.memref_slice %arg4[%add3A_210, %dma_wait3A_218] : memref<819200x64xf32, #tpu.memory_space<hbm>> -> memref<128x64xf32, #tpu.memory_space<hbm>>
    %dma_wait3A_220 = arith.constant 0 : i32
    %dma_wait3A_221 = arith.constant 0 : i32
    %dma_wait3A_222 = tpu.memref_slice %arg6[%dma_wait3A_211, %dma_wait3A_220, %dma_wait3A_221] : memref<8x128x64xf32, #tpu.memory_space<vmem>> -> memref<1x128x64xf32, #tpu.memory_space<vmem>>
    %dma_wait3A_223 = tpu.memref_squeeze %dma_wait3A_222 : memref<1x128x64xf32, #tpu.memory_space<vmem>> -> memref<128x64xf32, #tpu.memory_space<vmem>>
    tpu.wait_dma2 semaphore(%arg22 : memref<!tpu.dma_semaphore, #tpu.memory_space<semaphore_mem>>) src(%dma_wait3A_223 : memref<128x64xf32, #tpu.memory_space<vmem>>) dst(%dma_wait3A_219 : memref<128x64xf32, #tpu.memory_space<hbm>>)
    return
  }
}

</mosaic_0001>

<sc_bundles>
// kernel: kernel.3.cloned.1.call-start
scs
__scs_entry_jumppad:
0x0: {  	(pc) =	sbr.rel $0x88, $3  }
0x1: {  	(tag) =	ssettag $0x0;
	lr =	simm.s32 $0x1  }
0x2: {  	[smem:$0x3F9F] =	sst lr;
	_ =	strace $0xD0000000  }
0x3: {  	_ = 	snop  }
0x4: {  	_ = 	snop  }
0x5: {  	_ = 	snop  }
0x6: {  	_ = 	snop  }
0x7: {  	_ = 	snop  }
__scs_overlays_trampoline_lowered:
0x8: {  	[smem:$0x3FAE] =	sst s0  }
0x9: {  	[smem:$0x3FAF] =	sst s1  }
0xa: {  	[smem:$0x3FB0] =	sst s2  }
0xb: {  	[smem:$0x3FB1] =	sst s3  }
0xc: {  	[smem:$0x3FB2] =	sst s4  }
0xd: {  	[smem:$0x3FB3] =	sst s5  }
0xe: {  	[smem:$0x3FB4] =	sst s6  }
0xf: {  	[smem:$0x3FB5] =	sst s7  }
0x10: {  	[smem:$0x3FB6] =	sst s8  }
0x11: {  	[smem:$0x3FB7] =	sst s9;
	s0 =	simm.s32 @!p0 $0x0  }
0x12: {  	s1 =	sld [smem:$0x3F9D];
	s0 =	simm.s32 @p0 $0x1  }
0x13: {  	[smem:$0x3FB8] =	sst s0;
	s0 =	simm.s32 @!p1 $0x0  }
0x14: {  	s2 =	sld [smem:$0x3F9C];
	s0 =	simm.s32 @p1 $0x1  }
0x15: {  	[smem:$0x3FB9] =	sst s0;
	s0 =	simm.s32 @!p2 $0x0  }
0x16: {  	s3 =	sld [smem:$0x3FDB];
	s0 =	simm.s32 @p2 $0x1  }
0x17: {  	s4 =	simm.s32 $0x1BF5;
	[smem:$0x3FBB] =	sst s0  }
0x18: {  	s0 =	sld [smem:$0x3F9E];
	_ =	swait.ge [sflag:s4], $0x0  }
0x19: {  	s7 =	sld [smem:$0x3F9F]  }
0x1a: {  	s8 =	sadd.s32 $0xFFFFE003, lr  }
0x1b: {  	s9 =	sadd.s32 $0xFFFFFEF7, lr;
	s5 =	simm.s32 $0xFFFFFFFF;
	p2 =	slt.u32 s8, $0xFFFFF086  }
0x1c: {  	p1 =	slt.u32 s9, $0xF7A;
	s5 =	simm.s32 @!p2 $0x0  }
0x1d: {  	s5 =	simm.s32 @p1 $0x1;
	p0 =	seq.s32 s7, s2  }
0x1e: {  	s7 =	smul.u32 @!p0 $0xF7A, s2;
	p2 =	seq.s32 @!p0 s5, $0x0  }
0x1f: {  	s9 =	smul.u32 $0xF7A, s1;
	s8 =	simm.s32 @!p0 $0x1BF5;
	p2 =	por !p2, p0  }
0x20: {  	[sflag:s8] =	ssyncset.s32 @!p0 $0xFFFFF086;
	s6 =	sadd.s32 @!p0 s3, s7;
	s7 =	simm.s32 @!p0 $0x108  }
0x21: {  	s3 =	sadd.s32 s3, s9;
	s6 =	sadd.s32 @!p0 $0x88, s6;
	s7 =	simm.s32 @p2 $0x1082  }
0x22: {  	[simem:s7], [sflag:s8] =	dma.local @!p0 [hbm:s6], $0xF7A  }
0x23: {  	s9 =	sor.u32 $0xD0000000, s2;
	s6 =	simm.s32 $0x108;
	_ =	swait.ge @!p0 [sflag:s8], $0x0  }
0x24: {  	s3 =	sadd.s32 $0x88, s3;
	s6 =	simm.s32 @!p1 $0x1082;
	[sflag:s4] =	ssyncset.s32 $0xFFFFF086  }
0x25: {  	[simem:s6], [sflag:s4] =	dma.local [hbm:s3], $0xF7A  }
0x26: {  	[smem:$0x3F9F] =	sst s1;
	(tag) =	ssettag s2;
	_ =	strace s9  }
0x27: {  	s1 =	sld [smem:$0x3FAF]  }
0x28: {  	s2 =	sld [smem:$0x3FB0]  }
0x29: {  	s4 =	sld [smem:$0x3FB2]  }
0x2a: {  	p0 =	seq.s32 s5, $0x0;
	s5 =	sld [smem:$0x3FB3]  }
0x2b: {  	s6 =	sld [smem:$0x3FB4]  }
0x2c: {  	s7 =	sld [smem:$0x3FB5]  }
0x2d: {  	s3 =	simm.s32 $0x108;
	s8 =	sld [smem:$0x3FB6]  }
0x2e: {  	s3 =	simm.s32 @!p0 $0x1082;
	s9 =	sld [smem:$0x3FB7]  }
0x2f: {  	lr =	sadd.s32 s0, s3;
	s0 =	sld [smem:$0x3FAE]  }
0x30: {  	s3 =	sld [smem:$0x3FB1]  }
0x31: {  	[smem:$0x3FBA] =	sst s10  }
0x32: {  	s10 =	sld [smem:$0x3FB8];
	_ =	sdelay $0x3  }
0x33: {  	p0 =	seq.s32 s10, $0x1;
	s10 =	sld [smem:$0x3FBA];
	_ =	sdelay $0x3  }
0x34: {  	[smem:$0x3FBA] =	sst s10  }
0x35: {  	s10 =	sld [smem:$0x3FB9];
	_ =	sdelay $0x3  }
0x36: {  	p1 =	seq.s32 s10, $0x1;
	s10 =	sld [smem:$0x3FBA];
	_ =	sdelay $0x3  }
0x37: {  	[smem:$0x3FBA] =	sst s10  }
0x38: {  	s10 =	sld [smem:$0x3FBB]  }
0x39: {  	_ = 	snop;
	(pc) =	sbr.ind lr, $3  }
0x3a: {  	_ = 	snop  }
0x3b: {  	_ = 	snop  }
0x3c: {  	p2 =	seq.s32 s10, $0x1;
	s10 =	sld [smem:$0x3FBA]  }
0x3d: {  	_ =	shalt  }
0x3e: {  	_ =	shalt  }
0x3f: {  	_ =	shalt  }
0x40: {  	_ =	shalt  }
0x41: {  	_ =	shalt  }
0x42: {  	_ =	shalt  }
0x43: {  	_ =	shalt  }
0x44: {  	_ =	shalt  }
0x45: {  	_ =	shalt  }
0x46: {  	_ =	shalt  }
0x47: {  	_ =	shalt  }
0x48: {  	_ =	shalt  }
0x49: {  	_ =	shalt  }
0x4a: {  	_ =	shalt  }
0x4b: {  	_ =	shalt  }
0x4c: {  	_ =	shalt  }
0x4d: {  	_ =	shalt  }
0x4e: {  	_ =	shalt  }
0x4f: {  	_ =	shalt  }
0x50: {  	_ =	shalt  }
0x51: {  	_ =	shalt  }
0x52: {  	_ =	shalt  }
0x53: {  	_ =	shalt  }
0x54: {  	_ =	shalt  }
0x55: {  	_ =	shalt  }
0x56: {  	_ =	shalt  }
0x57: {  	_ =	shalt  }
0x58: {  	_ =	shalt  }
0x59: {  	_ =	shalt  }
0x5a: {  	_ =	shalt  }
0x5b: {  	_ =	shalt  }
0x5c: {  	_ =	shalt  }
0x5d: {  	_ =	shalt  }
0x5e: {  	_ =	shalt  }
0x5f: {  	_ =	shalt  }
0x60: {  	_ =	shalt  }
0x61: {  	_ =	shalt  }
0x62: {  	_ =	shalt  }
0x63: {  	_ =	shalt  }
0x64: {  	_ =	shalt  }
0x65: {  	_ =	shalt  }
0x66: {  	_ =	shalt  }
0x67: {  	_ =	shalt  }
0x68: {  	_ =	shalt  }
0x69: {  	_ =	shalt  }
0x6a: {  	_ =	shalt  }
0x6b: {  	_ =	shalt  }
0x6c: {  	_ =	shalt  }
0x6d: {  	_ =	shalt  }
0x6e: {  	_ =	shalt  }
0x6f: {  	_ =	shalt  }
0x70: {  	_ =	shalt  }
0x71: {  	_ =	shalt  }
0x72: {  	_ =	shalt  }
0x73: {  	_ =	shalt  }
0x74: {  	_ =	shalt  }
0x75: {  	_ =	shalt  }
0x76: {  	_ =	shalt  }
0x77: {  	_ =	shalt  }
0x78: {  	_ =	shalt  }
0x79: {  	_ =	shalt  }
0x7a: {  	_ =	shalt  }
0x7b: {  	_ =	shalt  }
0x7c: {  	_ =	shalt  }
0x7d: {  	_ =	shalt  }
0x7e: {  	_ =	shalt  }
0x7f: {  	_ =	shalt  }
0x80: {  	_ =	shalt  }
0x81: {  	_ =	shalt  }
0x82: {  	_ =	shalt  }
0x83: {  	_ =	shalt  }
0x84: {  	_ =	shalt  }
0x85: {  	_ =	shalt  }
0x86: {  	_ =	shalt  }
0x87: {  	_ =	shalt  }
.Lfunc_end0:
.L_simem_size_0:
called_computation.1_lowered:
.L_overlay_start_0:
0x88: {  	s2 =	sld [smem:$0x3FD9]  }
0x89: {  	s3 =	sld [smem:$0x3FFE];
	_ =	sdelay $0x1  }
0x8a: {  	s1 =	srdreg.scid  }
0x8b: {  	s0 =	sand.u32 $0x1, s1  }
0x8c: {  	s17 =	sshll.u32 s0, $0xA;
	s2 =	sadd.s32 s3, s2  }
0x8d: {  	s2 =	sadd.s32 s2, s17  }
0x8e: {  	[smem:$0x3FC6] =	sst s2  }
0x8f: {  	_ = 	snop  }
0x90: {  	s2 =	sld [smem:$0x3FD0];
	(tm) =	ssettm $0x1  }
0x91: {  	s18 =	sld [smem:$0x3FFB];
	_ =	sdelay $0x3  }
0x92: {  	_ =	strace s18  }
0x93: {  	s3 =	sld [smem:$0x3FFC];
	_ =	sdelay $0x3  }
0x94: {  	_ =	strace s3  }
0x95: {  	s3 =	sld [smem:$0x3FFD];
	_ =	sdelay $0x3  }
0x96: {  	_ =	strace s3  }
0x97: {  	_ =	strace $0x8FFFFFFF  }
0x98: {  	s19 =	sld [smem:$0x3FDB];
	_ =	sdelay $0x1  }
0x99: {  	s4 =	simm.s32 $_scs_section_size  }
0x9a: {  	s5 =	simm.s32 $_size__tile_overlayer_lowered;
	s6 =	simm.s32 $_tile_overlayer_lowered  }
0x9b: {  	s22 =	simm.s32 $0x1BFF;
	s21 =	sshll.u32 s6, $0x1;
	s3 =	sadd.s32 s4, s19  }
0x9c: {  	s7 =	simm.s32 $0x0;
	s20 =	sshll.u32 s5, $0x1;
	s5 =	sadd.s32 s21, s3  }
0x9d: {  	[timem:s7], [sflag:s22] =	dma.local [hbm:s5], s20  }
0x9e: {  	_ =	swait.ge [sflag:s22], s20  }
0x9f: {  	s4 =	ssub.s32 $0x0, s20;
	[sflag:s22] =	ssyncset.done $0x0  }
0xa0: {  	[sflag:s22] =	ssyncadd.s32 s4;
	_ =	sdelay $0x1  }
0xa1: {  	s23 =	simm.s32 $0x1B8B  }
0xa2: {  	_ =	swait.ge [sflag:s23], $0x1  }
0xa3: {  	[sflag:s23] =	ssyncset.done $0x0  }
0xa4: {  	s25 =	simm.s32 $0x1B8E;
	s24 =	sld [smem:$0x3FFE];
	[sflag:s23] =	ssyncadd.s32 $0xFFFFFFFF  }
0xa5: {  	s26 =	simm.s32 $execute0_lowered;
	[smem:$0x3FD2] =	sst s25  }
0xa6: {  	s5 =	sshll.u32 s26, $0x1;
	_ =	strace $0x80000046;
	[dreg:$0x1] =	wrdreg $0xFFFFFFFF  }
0xa7: {  	s28 =	simm.s32 $_size_execute0_lowered;
	s3 =	sadd.s32 s3, s5;
	[dreg:$0x0] =	wrdreg $0x0  }
0xa8: {  	s5 =	sshll.u32 s28, $0x1;
	[dreg:$0x2] =	wrdreg s3  }
0xa9: {  	[dreg:$0x3] =	wrdreg s5  }
0xaa: {  	[dreg:$0x4] =	wrdreg $0xC0  }
0xab: {  	_ =	task [dreg:s7], $0x5FFFF  }
0xac: {  	[dreg:$0x1] =	wrdreg $0xFFFFFFFF  }
0xad: {  	[dreg:$0x0] =	wrdreg $0x60  }
0xae: {  	[dreg:$0x2] =	wrdreg s24  }
0xaf: {  	[dreg:$0x3] =	wrdreg s2  }
0xb0: {  	[dreg:$0x4] =	wrdreg $0x9  }
0xb1: {  	_ =	task.clear_ibuf [dreg:s7], $0x5FFFF;
	_ =	strace $0x90000046  }
0xb2: {  	s29 =	simm.s32 $0x9;
	_ =	strace $0x80000048  }
0xb3: {  	_ =	swait.ge [sflag:s29], $0x1  }
0xb4: {  	[sflag:s29] =	ssyncadd.s32 $0xFFFFFFFF  }
0xb5: {  	_ =	strace $0x90000048  }
0xb6: {  	_ =	sfence  }
0xb7: {  	s30 =	sld [smem:$0x0];
	_ =	sdelay $0x2  }
0xb8: {  	s31 =	sshll.u32 s1, $0xD;
	s1 =	sshrl.u32 s1, $0x2  }
0xb9: {  	s3 =	sand.u32 $0x4000, s31;
	s1 =	sadd.s32 s1, s30  }
0xba: {  	s0 =	sor.u32 s3, s0;
	s1 =	sshll.u32 s1, $0x11  }
0xbb: {  	s0 =	sor.u32 s1, s0  }
0xbc: {  	s0 =	sadd.s32 $0x8F2B, s0  }
0xbd: {  	[sflag:s0] =	ssyncadd.remote.s32 $0x1  }
0xbe: {  	_ =	sfence.sel $0xFFFF  }
0xbf: {  	[dreg:$0x0] =	wrdreg $0xFFFFFFFF;
	(pc) =	sbr.abs _section_cstart, $3  }
0xc0: {  	[dreg:$0x1] =	wrdreg $0xFFFFFFFF  }
0xc1: {  	_ =	task.clear_ibuf [dreg:s7], $0x2FFFF;
	_ =	strace $0x9FFFFFFF  }
0xc2: {  	(tm) =	ssettm $0x7FFFFFFF  }
0xc3: {  	_ =	shalt  }
tec
execute0_lowered:
.L_overlay_start_1:
0x0: {  	(tag) =	ssettag $0x1  }
0x1: {  	s0 =	srdreg.scid  }
0x2: {  	s4 =	stileid.u32;
	s2 =	rddreg [dreg:$0x0]  }
0x3: {  	s3 =	simm.s32 $0x0;
	s16 =	simm.s32 $0x80;
	s17 =	simm.s32 $0x6400  }
0x4: {  	s29 =	simm.s32 $0x12400;
	s31 =	simm.s32 $0x14400;
	s28 =	simm.s32 $0x8  }
0x5: {  	s30 =	simm.s32 $0x9;
	s15 =	simm.s32 $0xC;
	s10 =	simm.s32 $0x10  }
0x6: {  	s12 =	simm.s32 $0x0;
	s0 =	sand.u32 $0x1, s0;
	s5 =	smul.u32 $0x320000, s4  }
0x7: {  	s1 =	sshll.u32 s4, $0x1;
	[smem:$0x7FF] =	sst s3;
	s6 =	smul.u32 $0xC800, s4  }
0x8: {  	s4 =	sadd.s32 $0xF42E00, s2;
	s7 =	ssub.s32 $0x2, s0;
	s8 =	smul.u32 $0x6400, s0  }
0x9: {  	s1 =	sor.u32 s0, s1;
	s0 =	smul.u32 $0x190000, s0;
	s9 =	sshrl.u32 s7, $0x1  }
0xa: {  	_ =	strace $0x80000047;
	s1 =	smul.u32 $0xC80, s1;
	s18 =	ssub.s32 s7, s9  }
0xb: {  	s6 =	sadd.s32 s8, s6;
	s0 =	sadd.s32 s0, s5;
	s5 =	simm.s32 $0xA  }
0xc: {  	s7 =	simm.s32 $0xD;
	s1 =	sadd.s32 s1, s2;
	s2 =	smax.u32 s18, $0x1  }
0xd: {  	s8 =	simm.s32 $0xE;
	s0 =	sshrl.u32 s0, $0x3;
	[dreg:$0x4] =	wrdreg s2  }
0xe: {  	s19 =	sshll.u32 s6, $0x3;
	s1 =	sadd.s32 $0xA00, s1;
	[dreg:$0x5] =	wrdreg s0  }
0xf: {  	s9 =	simm.s32 $0xF;
	s20 =	sor.u32 $0x1C00, s19;
	[dreg:$0x3] =	wrdreg s1  }
0x10: {  	s18 =	simm.s32 $0x8400;
	s21 =	sor.u32 $0x1800, s19;
	[dreg:$0x6] =	wrdreg s20  }
0x11: {  	s6 =	simm.s32 $0xB;
	s22 =	sor.u32 $0x1400, s19;
	[dreg:$0x7] =	wrdreg s21  }
0x12: {  	s23 =	sor.u32 $0x1000, s19;
	s24 =	sor.u32 $0xC00, s19;
	[dreg:$0x8] =	wrdreg s22  }
0x13: {  	s25 =	sor.u32 $0x800, s19;
	s26 =	sor.u32 $0x400, s19;
	[dreg:$0x9] =	wrdreg s23  }
.Ltmp0:
0x14: {  	s0 =	simm.s32 $0x2;
	[dreg:$0xa] =	wrdreg s24;
	(pc) =	sbr.rel .LBB2_1-.Ltmp0, $4  }
0x15: {  	s2 =	simm.s32 $0x3;
	s19 =	simm.s32 $0x4;
	[dreg:$0xb] =	wrdreg s25  }
0x16: {  	[dreg:$0xc] =	wrdreg s26;
	s20 =	simm.s32 $0xA400;
	s22 =	simm.s32 $0xC400  }
0x17: {  	s24 =	simm.s32 $0xE400;
	s26 =	simm.s32 $0x10400;
	s1 =	simm.s32 $0x1  }
0x18: {  	s21 =	simm.s32 $0x5;
	s23 =	simm.s32 $0x6;
	s25 =	simm.s32 $0x7  }
.LBB2_4:
0x19: {  	_ =	swait.ge [sflag:s5], $0x2000  }
0x1a: {  	[sflag:s5] =	ssyncset.done $0x0  }
0x1b: {  	[sflag:s5] =	ssyncadd.s32 $0xFFFFE000  }
0x1c: {  	_ =	swait.ge [sflag:s6], $0x2000  }
0x1d: {  	[sflag:s6] =	ssyncset.done $0x0  }
0x1e: {  	[sflag:s6] =	ssyncadd.s32 $0xFFFFE000  }
0x1f: {  	_ =	swait.ge [sflag:s15], $0x2000  }
0x20: {  	[sflag:s15] =	ssyncset.done $0x0  }
0x21: {  	[sflag:s15] =	ssyncadd.s32 $0xFFFFE000  }
0x22: {  	_ =	swait.ge [sflag:s7], $0x2000  }
0x23: {  	[sflag:s7] =	ssyncset.done $0x0  }
0x24: {  	[sflag:s7] =	ssyncadd.s32 $0xFFFFE000  }
0x25: {  	_ =	swait.ge [sflag:s8], $0x2000  }
0x26: {  	[sflag:s8] =	ssyncset.done $0x0  }
0x27: {  	[sflag:s8] =	ssyncadd.s32 $0xFFFFE000  }
0x28: {  	_ =	swait.ge [sflag:s9], $0x2000  }
0x29: {  	[sflag:s9] =	ssyncset.done $0x0  }
0x2a: {  	[sflag:s9] =	ssyncadd.s32 $0xFFFFE000  }
0x2b: {  	_ =	swait.ge [sflag:s10], $0x2000  }
0x2c: {  	s12 =	rddreg [dreg:$0xd]  }
0x2d: {  	s11 =	rddreg [dreg:$0x4];
	s12 =	sadd.s32 $0x1, s12  }
0x2e: {  	p0 =	sne.s32 s12, s11  }
.Ltmp1:
0x2f: {  	_ = 	snop;
	(pc) =	sbr.rel @!p0 .LBB2_5-.Ltmp1, $3  }
0x30: {  	_ =	sdelay $0x1  }
0x31: {  	[sflag:s10] =	ssyncset.done $0x0  }
0x32: {  	[sflag:s10] =	ssyncadd.s32 $0xFFFFE000  }
.LBB2_1:
0x33: {  	[dreg:$0xd] =	wrdreg s12  }
0x34: {  	s11 =	rddreg [dreg:$0x3];
	s14 =	simm.s32 $0x11  }
0x35: {  	[tilespmem:s3], [sflag:$0x11] =	stream.linear.gather [hbm4b:s11+s3], $0x6400, $0x38;
	[tilespmem:$0x16400] =	vst v63  }
0x36: {  	_ =	swait.ge [sflag:s14], $0x6400  }
0x37: {  	[sflag:s14] =	ssyncset.done $0x0  }
0x38: {  	[sflag:s14] =	ssyncadd.s32 $0xFFFF9C00  }
0x39: {  	[tilespmem:s17], [sflag:$0x1] =	stream.indirect.gather [hbm4b:s4+s16], $0x40, s3, s16, $0xb8;
	[tilespmem:$0x16400] =	vst v63  }
0x3a: {  	_ = 	snop  }
0x3b: {  	[tilespmem:s18], [sflag:$0x2] =	stream.indirect.gather [hbm4b:s4+s16], $0x40, s16, s16, $0xb8;
	[tilespmem:$0x16400] =	vst v63  }
0x3c: {  	s12 =	simm.s32 $0x100  }
0x3d: {  	[tilespmem:s20], [sflag:$0x3] =	stream.indirect.gather [hbm4b:s4+s16], $0x40, s12, s16, $0xb8;
	[tilespmem:$0x16400] =	vst v63  }
0x3e: {  	s13 =	simm.s32 $0x180  }
0x3f: {  	[tilespmem:s22], [sflag:$0x4] =	stream.indirect.gather [hbm4b:s4+s16], $0x40, s13, s16, $0xb8;
	[tilespmem:$0x16400] =	vst v63  }
0x40: {  	s14 =	simm.s32 $0x200  }
0x41: {  	[tilespmem:s24], [sflag:$0x5] =	stream.indirect.gather [hbm4b:s4+s16], $0x40, s14, s16, $0xb8;
	[tilespmem:$0x16400] =	vst v63  }
0x42: {  	s12 =	simm.s32 $0x280  }
0x43: {  	[tilespmem:s26], [sflag:$0x6] =	stream.indirect.gather [hbm4b:s4+s16], $0x40, s12, s16, $0xb8;
	[tilespmem:$0x16400] =	vst v63  }
0x44: {  	s13 =	simm.s32 $0x300  }
0x45: {  	[tilespmem:s29], [sflag:$0x7] =	stream.indirect.gather [hbm4b:s4+s16], $0x40, s13, s16, $0xb8;
	[tilespmem:$0x16400] =	vst v63  }
0x46: {  	s11 =	rddreg [dreg:$0x1];
	s14 =	simm.s32 $0x380;
	s12 =	simm.s32 $0x0  }
0x47: {  	[tilespmem:s31], [sflag:$0x8] =	stream.indirect.gather [hbm4b:s4+s16], $0x40, s14, s16, $0xb8;
	[tilespmem:$0x16400] =	vst v63  }
.LBB2_2:
0x48: {  	_ =	swait.ge [sflag:s1], $0x2000  }
0x49: {  	[sflag:s1] =	ssyncset.done $0x0;
	s13 =	rddreg [dreg:$0x5]  }
0x4a: {  	[sflag:s1] =	ssyncadd.s32 $0xFFFFE000;
	s13 =	sadd.s32 s11, s13  }
0x4b: {  	[hbm4b:s13+s3] =	stream.linear.scatter [tilespmem:s17], [sflag:$0x9], $0x2000, $0x38;
	[tilespmem:$0x16400] =	vst v63  }
0x4c: {  	_ =	swait.ge [sflag:s0], $0x2000  }
0x4d: {  	[sflag:s0] =	ssyncset.done $0x0;
	s14 =	rddreg [dreg:$0xc]  }
0x4e: {  	[sflag:s0] =	ssyncadd.s32 $0xFFFFE000;
	s13 =	sadd.s32 s11, s14  }
0x4f: {  	[hbm4b:s13+s3] =	stream.linear.scatter [tilespmem:s18], [sflag:$0xA], $0x2000, $0x38;
	[tilespmem:$0x16400] =	vst v63  }
0x50: {  	_ =	swait.ge [sflag:s2], $0x2000  }
0x51: {  	[sflag:s2] =	ssyncset.done $0x0;
	s14 =	rddreg [dreg:$0xb]  }
0x52: {  	[sflag:s2] =	ssyncadd.s32 $0xFFFFE000;
	s13 =	sadd.s32 s11, s14  }
0x53: {  	[hbm4b:s13+s3] =	stream.linear.scatter [tilespmem:s20], [sflag:$0xB], $0x2000, $0x38;
	[tilespmem:$0x16400] =	vst v63  }
0x54: {  	_ =	swait.ge [sflag:s19], $0x2000  }
0x55: {  	[sflag:s19] =	ssyncset.done $0x0;
	s14 =	rddreg [dreg:$0xa]  }
0x56: {  	[sflag:s19] =	ssyncadd.s32 $0xFFFFE000;
	s13 =	sadd.s32 s11, s14  }
0x57: {  	[hbm4b:s13+s3] =	stream.linear.scatter [tilespmem:s22], [sflag:$0xC], $0x2000, $0x38;
	[tilespmem:$0x16400] =	vst v63  }
0x58: {  	_ =	swait.ge [sflag:s21], $0x2000  }
0x59: {  	[sflag:s21] =	ssyncset.done $0x0;
	s14 =	rddreg [dreg:$0x9]  }
0x5a: {  	[sflag:s21] =	ssyncadd.s32 $0xFFFFE000;
	s13 =	sadd.s32 s11, s14  }
0x5b: {  	[hbm4b:s13+s3] =	stream.linear.scatter [tilespmem:s24], [sflag:$0xD], $0x2000, $0x38;
	[tilespmem:$0x16400] =	vst v63  }
0x5c: {  	_ =	swait.ge [sflag:s23], $0x2000  }
0x5d: {  	[sflag:s23] =	ssyncset.done $0x0;
	s14 =	rddreg [dreg:$0x8]  }
0x5e: {  	[sflag:s23] =	ssyncadd.s32 $0xFFFFE000;
	s13 =	sadd.s32 s11, s14  }
0x5f: {  	[hbm4b:s13+s3] =	stream.linear.scatter [tilespmem:s26], [sflag:$0xE], $0x2000, $0x38;
	[tilespmem:$0x16400] =	vst v63  }
0x60: {  	_ =	swait.ge [sflag:s25], $0x2000  }
0x61: {  	[sflag:s25] =	ssyncset.done $0x0;
	s14 =	rddreg [dreg:$0x7]  }
0x62: {  	[sflag:s25] =	ssyncadd.s32 $0xFFFFE000;
	s13 =	sadd.s32 s11, s14  }
0x63: {  	[hbm4b:s13+s3] =	stream.linear.scatter [tilespmem:s29], [sflag:$0xF], $0x2000, $0x38;
	[tilespmem:$0x16400] =	vst v63  }
0x64: {  	_ =	swait.ge [sflag:s28], $0x2000  }
0x65: {  	p0 =	seq.s32 s12, $0x18000;
	[sflag:s28] =	ssyncset.done $0x0;
	s14 =	rddreg [dreg:$0x6]  }
.Ltmp2:
0x66: {  	[sflag:s28] =	ssyncadd.s32 $0xFFFFE000;
	s13 =	sadd.s32 s11, s14;
	(pc) =	sbr.rel @p0 .LBB2_4-.Ltmp2, $4  }
0x67: {  	[hbm4b:s13+s3] =	stream.linear.scatter [tilespmem:s31], [sflag:$0x10], $0x2000, $0x38;
	[tilespmem:$0x16400] =	vst v63  }
0x68: {  	_ =	swait.ge [sflag:s30], $0x2000  }
0x69: {  	[sflag:s30] =	ssyncset.done $0x0  }
0x6a: {  	[sflag:s30] =	ssyncadd.s32 $0xFFFFE000  }
0x6b: {  	s13 =	sshra.s32 s12, $0x2  }
0x6c: {  	s14 =	sadd.s32 $0x400, s13  }
0x6d: {  	[tilespmem:s17], [sflag:$0x1] =	stream.indirect.gather [hbm4b:s4+s16], $0x40, s14, s16, $0xb8;
	[tilespmem:$0x16400] =	vst v63  }
0x6e: {  	_ =	swait.ge [sflag:s5], $0x2000  }
0x6f: {  	[sflag:s5] =	ssyncset.done $0x0  }
0x70: {  	s14 =	sadd.s32 $0x480, s13;
	[sflag:s5] =	ssyncadd.s32 $0xFFFFE000  }
0x71: {  	[tilespmem:s18], [sflag:$0x2] =	stream.indirect.gather [hbm4b:s4+s16], $0x40, s14, s16, $0xb8;
	[tilespmem:$0x16400] =	vst v63  }
0x72: {  	_ =	swait.ge [sflag:s6], $0x2000  }
0x73: {  	[sflag:s6] =	ssyncset.done $0x0  }
0x74: {  	s14 =	sadd.s32 $0x500, s13;
	[sflag:s6] =	ssyncadd.s32 $0xFFFFE000  }
0x75: {  	[tilespmem:s20], [sflag:$0x3] =	stream.indirect.gather [hbm4b:s4+s16], $0x40, s14, s16, $0xb8;
	[tilespmem:$0x16400] =	vst v63  }
0x76: {  	_ =	swait.ge [sflag:s15], $0x2000  }
0x77: {  	[sflag:s15] =	ssyncset.done $0x0  }
0x78: {  	s14 =	sadd.s32 $0x580, s13;
	[sflag:s15] =	ssyncadd.s32 $0xFFFFE000  }
0x79: {  	[tilespmem:s22], [sflag:$0x4] =	stream.indirect.gather [hbm4b:s4+s16], $0x40, s14, s16, $0xb8;
	[tilespmem:$0x16400] =	vst v63  }
0x7a: {  	_ =	swait.ge [sflag:s7], $0x2000  }
0x7b: {  	[sflag:s7] =	ssyncset.done $0x0  }
0x7c: {  	s14 =	sadd.s32 $0x600, s13;
	[sflag:s7] =	ssyncadd.s32 $0xFFFFE000  }
0x7d: {  	[tilespmem:s24], [sflag:$0x5] =	stream.indirect.gather [hbm4b:s4+s16], $0x40, s14, s16, $0xb8;
	[tilespmem:$0x16400] =	vst v63  }
0x7e: {  	_ =	swait.ge [sflag:s8], $0x2000  }
0x7f: {  	[sflag:s8] =	ssyncset.done $0x0  }
0x80: {  	s14 =	sadd.s32 $0x680, s13;
	[sflag:s8] =	ssyncadd.s32 $0xFFFFE000  }
0x81: {  	[tilespmem:s26], [sflag:$0x6] =	stream.indirect.gather [hbm4b:s4+s16], $0x40, s14, s16, $0xb8;
	[tilespmem:$0x16400] =	vst v63  }
0x82: {  	_ =	swait.ge [sflag:s9], $0x2000  }
0x83: {  	[sflag:s9] =	ssyncset.done $0x0  }
0x84: {  	s14 =	sadd.s32 $0x700, s13;
	[sflag:s9] =	ssyncadd.s32 $0xFFFFE000  }
0x85: {  	[tilespmem:s29], [sflag:$0x7] =	stream.indirect.gather [hbm4b:s4+s16], $0x40, s14, s16, $0xb8;
	[tilespmem:$0x16400] =	vst v63  }
.Ltmp3:
0x86: {  	_ = 	snop;
	(pc) =	sbr.rel .LBB2_2-.Ltmp3, $4  }
0x87: {  	_ =	swait.ge [sflag:s10], $0x2000  }
0x88: {  	s12 =	sadd.s32 $0x1000, s12;
	[sflag:s10] =	ssyncset.done $0x0  }
0x89: {  	s11 =	sadd.s32 $0x2000, s11;
	s13 =	sadd.s32 $0x780, s13;
	[sflag:s10] =	ssyncadd.s32 $0xFFFFE000  }
0x8a: {  	[tilespmem:s31], [sflag:$0x8] =	stream.indirect.gather [hbm4b:s4+s16], $0x40, s13, s16, $0xb8;
	[tilespmem:$0x16400] =	vst v63  }
.LBB2_5:
0x8b: {  	_ =	sfence.sel $0x180000  }
0x8c: {  	[bflag:$0x0] =	sbarrier.arrive $0xFFFF  }
0x8d: {  	_ =	strace $0x90000047  }
0x8e: {  	s0 =	stileid.u32;
	[bflag:$0x2] =	sbarrier.arrive $0xFFFF  }
0x8f: {  	p0 =	sne.s32 s0, $0x0;
	s0 =	rddreg [dreg:$0x2]  }
0x90: {  	s0 =	sadd.s32 @!p0 $0x100000, s0  }
0x91: {  	[sflag:s0] =	ssyncadd.tile.s32 @!p0 $0x1;
	_ =	shalt  }
.Lfunc_end2:
_tile_overlayer_lowered:
.L_overlay_start_2:
0x92: {  	(tag) =	ssettag $0x2  }
0x93: {  	s0 =	rddreg [dreg:$0x0];
	s2 =	stileid.u32  }
0x94: {  	s1 =	rddreg [dreg:$0x1];
	p0 =	sne.s32 s2, $0x0  }
0x95: {  	s3 =	rddreg [dreg:$0x2];
	[bflag:$0x3] =	sbarrier.arrive $0xFFFF;
	s2 =	simm.s32 @!p0 $0x1C11  }
0x96: {  	[timem:s3], [sflag:s2] =	dma.local @!p0 [hbm:s0], s1  }
0x97: {  	s0 =	simm.s32 @!p0 $0x11  }
0x98: {  	_ =	swait.ge @!p0 [sflag:s0], s1  }
0x99: {  	s1 =	ssub.s32 @!p0 $0x0, s1;
	[sflag:s0] =	ssyncset.done @!p0 $0x0  }
0x9a: {  	[sflag:s0] =	ssyncadd.s32 @!p0 s1  }
0x9b: {  	[bflag:$0x3] =	sbarrier.arrive $0xFFFF  }
0x9c: {  	_ =	shalt  }

// kernel: sparse-core-data-format-call.cloned.1.call-start
scs
called_computation_lowered:
.L_overlay_start_0:
0x0: {  	s2 =	sld [smem:$0x3FD9]  }
0x1: {  	s3 =	sld [smem:$0x3FFE];
	_ =	sdelay $0x1  }
0x2: {  	s1 =	srdreg.scid  }
0x3: {  	s0 =	sand.u32 $0x1, s1  }
0x4: {  	s18 =	sshll.u32 s0, $0xA;
	s2 =	sadd.s32 s3, s2  }
0x5: {  	s2 =	sadd.s32 s2, s18  }
0x6: {  	[smem:$0x3FC6] =	sst s2  }
0x7: {  	_ = 	snop  }
0x8: {  	s2 =	sld [smem:$0x3FD0];
	(tm) =	ssettm $0x1  }
0x9: {  	s19 =	sld [smem:$0x3FFB];
	_ =	sdelay $0x3  }
0xa: {  	_ =	strace s19  }
0xb: {  	s3 =	sld [smem:$0x3FFC];
	_ =	sdelay $0x3  }
0xc: {  	_ =	strace s3  }
0xd: {  	s3 =	sld [smem:$0x3FFD];
	_ =	sdelay $0x3  }
0xe: {  	_ =	strace s3  }
0xf: {  	_ =	strace $0x8FFFFFFF  }
0x10: {  	s20 =	sld [smem:$0x3FDB];
	_ =	sdelay $0x1  }
0x11: {  	s4 =	simm.s32 $_scs_section_size  }
0x12: {  	s5 =	simm.s32 $_size__tile_overlayer_lowered;
	s6 =	simm.s32 $_tile_overlayer_lowered  }
0x13: {  	s23 =	simm.s32 $0x1BFF;
	s22 =	sshll.u32 s6, $0x1;
	s3 =	sadd.s32 s4, s20  }
0x14: {  	s7 =	simm.s32 $0x0;
	s21 =	sshll.u32 s5, $0x1;
	s5 =	sadd.s32 s22, s3  }
0x15: {  	[timem:s7], [sflag:s23] =	dma.local [hbm:s5], s21  }
0x16: {  	_ =	swait.ge [sflag:s23], s21  }
0x17: {  	s4 =	ssub.s32 $0x0, s21;
	[sflag:s23] =	ssyncset.done $0x0  }
0x18: {  	[sflag:s23] =	ssyncadd.s32 s4;
	_ =	sdelay $0x1  }
0x19: {  	s24 =	simm.s32 $0x1B8B  }
0x1a: {  	_ =	swait.ge [sflag:s24], $0x1  }
0x1b: {  	[sflag:s24] =	ssyncset.done $0x0  }
0x1c: {  	s26 =	simm.s32 $0x1B8E;
	s25 =	sld [smem:$0x3FFE];
	[sflag:s24] =	ssyncadd.s32 $0xFFFFFFFF  }
0x1d: {  	s27 =	simm.s32 $execute0_lowered;
	[smem:$0x3FD2] =	sst s26  }
0x1e: {  	s5 =	sshll.u32 s27, $0x1;
	_ =	strace $0x80000049;
	[dreg:$0x1] =	wrdreg $0xFFFFFFFF  }
0x1f: {  	s28 =	simm.s32 $_size_execute0_lowered;
	s3 =	sadd.s32 s3, s5;
	[dreg:$0x0] =	wrdreg $0x0  }
0x20: {  	s5 =	sshll.u32 s28, $0x1;
	[dreg:$0x2] =	wrdreg s3  }
0x21: {  	[dreg:$0x3] =	wrdreg s5  }
0x22: {  	[dreg:$0x4] =	wrdreg $0xC0  }
0x23: {  	_ =	task [dreg:s7], $0x5FFFF  }
0x24: {  	[dreg:$0x1] =	wrdreg $0xFFFFFFFF  }
0x25: {  	[dreg:$0x0] =	wrdreg $0x60  }
0x26: {  	[dreg:$0x2] =	wrdreg s25  }
0x27: {  	[dreg:$0x3] =	wrdreg s2  }
0x28: {  	[dreg:$0x4] =	wrdreg $0x9  }
0x29: {  	_ =	task.clear_ibuf [dreg:s7], $0x5FFFF;
	_ =	strace $0x90000049  }
0x2a: {  	s29 =	simm.s32 $0x9;
	_ =	strace $0x8000004B  }
0x2b: {  	_ =	swait.ge [sflag:s29], $0x1  }
0x2c: {  	[sflag:s29] =	ssyncadd.s32 $0xFFFFFFFF  }
0x2d: {  	_ =	strace $0x9000004B  }
0x2e: {  	_ =	sfence  }
0x2f: {  	s30 =	sld [smem:$0x0];
	_ =	sdelay $0x2  }
0x30: {  	s31 =	sshll.u32 s1, $0xD;
	s1 =	sshrl.u32 s1, $0x2  }
0x31: {  	s3 =	sand.u32 $0x4000, s31;
	s1 =	sadd.s32 s1, s30  }
0x32: {  	s0 =	sor.u32 s3, s0;
	s1 =	sshll.u32 s1, $0x11  }
0x33: {  	s0 =	sor.u32 s1, s0  }
0x34: {  	s0 =	sadd.s32 $0x8F2B, s0  }
0x35: {  	[sflag:s0] =	ssyncadd.remote.s32 $0x1  }
0x36: {  	_ =	sfence.sel $0xFFFF  }
0x37: {  	[dreg:$0x0] =	wrdreg $0xFFFFFFFF;
	(pc) =	sbr.abs _section_cstart, $3  }
0x38: {  	[dreg:$0x1] =	wrdreg $0xFFFFFFFF  }
0x39: {  	_ =	task.clear_ibuf [dreg:s7], $0x2FFFF;
	_ =	strace $0x9FFFFFFF  }
0x3a: {  	(tm) =	ssettm $0x7FFFFFFF  }
0x3b: {  	_ =	shalt  }
tec
execute0_lowered:
.L_overlay_start_1:
0x0: {  	(tag) =	ssettag $0x1  }
0x1: {  	s0 =	srdreg.scid  }
0x2: {  	s1 =	sshll.u32 s0, $0x4  }
0x3: {  	s0 =	stileid.u32;
	s1 =	sand.u32 $0x10, s1  }
0x4: {  	s1 =	sor.u32 s0, s1  }
0x5: {  	s6 =	rddreg [dreg:$0x0];
	s4 =	simm.s32 $0x1;
	s2 =	sshll.u32 s1, $0x7  }
0x6: {  	s7 =	simm.s32 $0x2;
	s12 =	simm.s32 $0x0;
	s1 =	ssub.s32 $0x4000, s2  }
0x7: {  	s8 =	simm.s32 $0x20000;
	s13 =	simm.s32 $0x0;
	s3 =	sand.u32 $0xF80, s1  }
0x8: {  	s9 =	simm.s32 $0x0;
	s5 =	sshrl.u32 s1, $0xC;
	p0 =	sne.s32 s3, $0x0  }
.Ltmp0:
0x9: {  	s1 =	rddreg [dreg:$0x2];
	s4 =	simm.s32 @!p0 $0x0;
	(pc) =	sbr.rel .LBB1_1-.Ltmp0, $4  }
0xa: {  	s11 =	simm.s32 $0x0;
	s3 =	rddreg [dreg:$0x1];
	s5 =	sadd.s32 s4, s5  }
0xb: {  	_ =	strace $0x8000004A;
	s4 =	simm.s32 $0x1;
	s5 =	smul.u32 $0x32, s5  }
0xc: {  	s6 =	sadd.s32 $0xA00, s6;
	s10 =	smov.u32 s2;
	[sflag:s4] =	ssyncpa.u1 $0x0  }
0xd: {  	p0 =	por $0x0, $0x0;
	[sflag:s7] =	ssyncpa.u1 $0x0;
	s7 =	sor.u32 $0x1, s5  }
.LBB1_4:
0xe: {  	s16 =	sshll.u32 s13, $0x3;
	s17 =	sand.u32 $0x78, s13  }
0xf: {  	s30 =	sand.u32 $0x1F800, s13;
	s12 =	sshll.u32 s12, $0x11;
	s16 =	sand.u32 $0x3C00, s16  }
0x10: {  	[tilespmem:s15+$0x810 ss:$0x81] =	vst.msk $0xffff, v2;
	s31 =	sand.u32 $0x7, s13;
	s16 =	sor.u32 s17, s16;
	s17 =	sadd.s32 s3, s30  }
0x11: {  	[tilespmem:s15+$0x1020 ss:$0x81] =	vst.msk $0xffff, v0;
	s13 =	sshll.u32 s31, $0x12;
	s12 =	sadd.s32 s12, s17;
	s16 =	sshrl.u32 s16, $0x3  }
0x12: {  	[tilespmem:s15+$0x0 ss:$0x81] =	vst.msk $0xffff, v1;
	s13 =	sor.u32 $0x400, s13;
	s12 =	sadd.s32 s16, s12  }
0x13: {  	[hbm4b:s12+s13] =	stream.strided.scatter [tilespmem:s14], [sflag:$0x2], $0x2000, s8, s13, $0x20;
	[tilespmem:$0x8080] =	vst v63  }
.LBB1_5:
0x14: {  	s14 =	sadd.s32 $0x1, s9  }
0x15: {  	s12 =	sadd.s32 $0x1000, s10;
	s16 =	smov.u32 s10;
	p2 =	sgt.s32 s14, $0x31  }
0x16: {  	s16 =	smov.u32 @p2 s12  }
0x17: {  	s14 =	simm.s32 @p2 $0x0;
	p2 =	sgt.s32 s16, $0x3FFF  }
0x18: {  	s16 =	smov.u32 @p2 s2;
	p2 =	sne.s32 s11, s7  }
.Ltmp1:
0x19: {  	p1 =	slt.u32 s11, $0x2;
	(pc) =	sbr.rel @!p2 .LBB1_6-.Ltmp1, $4  }
0x1a: {  	s15 =	simm.s32 @!p1 $0x2  }
0x1b: {  	s13 =	smov.u32 s10;
	p0 =	por !p0, !p0;
	_ =	swait.ge @!p1 [sflag:s15], $0x2000  }
0x1c: {  	s12 =	smov.u32 s9;
	[sflag:s15] =	ssyncset.done @!p1 $0x0;
	s9 =	smov.u32 s14  }
0x1d: {  	s11 =	sadd.s32 $0x1, s11;
	[sflag:s15] =	ssyncadd.s32 @!p1 $0xFFFFE000;
	s10 =	smov.u32 s16  }
.LBB1_1:
0x1e: {  	p1 =	sge.u32 s11, s5  }
0x1f: {  	s14 =	sand.u32 @!p1 $0x1FFFFFF, s9  }
0x20: {  	s15 =	smulhi.u32 @!p1 $0x4924925, s14;
	_ =	sdelay $0x1  }
0x21: {  	s15 =	smul.u32 @!p1 $0x38, s15  }
0x22: {  	s16 =	sxor.u32 @!p1 $0xFFFFFFFF, s11;
	s17 =	smul.u32 @!p1 $0x380, s10  }
0x23: {  	s31 =	sadd.s32 $0xFFFFFFFF, s11;
	s16 =	sshll.u32 @!p1 s16, $0xD;
	s14 =	ssub.s32 @!p1 s14, s15  }
0x24: {  	s15 =	sand.u32 @!p1 $0x2000, s16;
	s16 =	sadd.s32 @!p1 s6, s17;
	s14 =	sshll.u32 @!p1 s14, $0x4  }
0x25: {  	s17 =	simm.s32 @!p1 $0x1C00;
	s14 =	sadd.s32 @!p1 s14, s16;
	s16 =	simm.s32 @!p1 $0x40  }
0x26: {  	[tilespmem:s15], [sflag:$0x1] =	stream.strided.gather @!p1 [hbm4b:s14+s16], $0x2000, s17, s16, $0x38;
	[tilespmem:$0x8080] =	vst v63  }
0x27: {  	p1 =	sge.u32 s31, s5  }
.Ltmp2:
0x28: {  	_ = 	snop;
	(pc) =	sbr.rel @p1 .LBB1_5-.Ltmp2, $1  }
0x29: {  	_ =	sdelay $0x3  }
0x2a: {  	s14 =	simm.s32 $0x1  }
0x2b: {  	_ =	swait.ge [sflag:s4], $0x2000;
	s14 =	simm.s32 @!p0 $0x0  }
0x2c: {  	[sflag:s4] =	ssyncset.done $0x0;
	s15 =	sshll.u32 s14, $0xD  }
0x2d: {  	[sflag:s4] =	ssyncadd.s32 $0xFFFFE000;
	s18 =	sor.u32 $0x20, s15  }
0x2e: {  	s14 =	smul.u32 $0x8100, s14;
	v3 =	vld [tilespmem:s18+$0x10]  }
0x2f: {  	s30 =	sand.u32 $0x1, s11;
	v2 =	vld [tilespmem:s18+$0xFFFFFFF0]  }
0x30: {  	s15 =	smul.u32 $0x8100, s30;
	s14 =	sshrl.u32 s14, $0x2;
	v0 =	vld [tilespmem:s18+$0x0]  }
0x31: {  	v1 =	vld [tilespmem:s18+$0xFFFFFFE0];
	s16 =	sor.u32 $0x4000, s14  }
0x32: {  	s31 =	sshrl.u32 s15, $0x2;
	s15 =	sadd.s32 $0x0, s16  }
0x33: {  	s17 =	simm.s32 $0x4;
	s18 =	sadd.s32 $0x40, s18;
	s14 =	sor.u32 $0x4000, s31;
	[tilespmem:s15+$0x1830 ss:$0x81] =	vst.msk $0xffff, v3  }
.LBB1_3:
0x34: {  	v3 =	vld [tilespmem:s18+$0x10];
	p1 =	sne.s32 s17, $0x1FC;
	[tilespmem:s15+$0x810 ss:$0x81] =	vst.msk $0xffff, v2;
	s19 =	smov.u32 s17;
	s17 =	sadd.s32 $0x4, s17  }
.Ltmp3:
0x35: {  	v2 =	vld [tilespmem:s18+$0xFFFFFFF0];
	[tilespmem:s15+$0x1020 ss:$0x81] =	vst.msk $0xffff, v0;
	(pc) =	sbr.rel @p1 .LBB1_3-.Ltmp3, $4  }
0x36: {  	v0 =	vld [tilespmem:s18+$0x0];
	[tilespmem:s15+$0x0 ss:$0x81] =	vst.msk $0xffff, v1  }
0x37: {  	s15 =	sshra.s32 s19, $0x2;
	v1 =	vld [tilespmem:s18+$0xFFFFFFE0]  }
0x38: {  	s15 =	sadd.s32 s15, s16  }
0x39: {  	s18 =	sadd.s32 $0x40, s18;
	[tilespmem:s15+$0x1830 ss:$0x81] =	vst.msk $0xffff, v3  }
.Ltmp4:
0x3a: {  	_ = 	snop;
	(pc) =	sbr.rel .LBB1_4-.Ltmp4, $1  }
0x3b: {  	_ =	sdelay $0x3  }
.LBB1_6:
0x3c: {  	_ =	sfence.sel $0x180000  }
0x3d: {  	s2 =	simm.s32 $0x1;
	[bflag:$0x0] =	sbarrier.arrive $0xFFFF  }
0x3e: {  	s31 =	simm.s32 $0x2;
	[sflag:s2] =	ssyncpa.u1 $0x1  }
0x3f: {  	[sflag:s31] =	ssyncpa.u1 $0x1  }
0x40: {  	p0 =	sne.s32 s0, $0x0;
	_ =	strace $0x9000004A  }
0x41: {  	s0 =	sadd.s32 @!p0 $0x100000, s1;
	[bflag:$0x2] =	sbarrier.arrive $0xFFFF  }
0x42: {  	[sflag:s0] =	ssyncadd.tile.s32 @!p0 $0x1;
	_ =	shalt  }
.Lfunc_end1:
_tile_overlayer_lowered:
.L_overlay_start_2:
0x43: {  	(tag) =	ssettag $0x2  }
0x44: {  	s0 =	rddreg [dreg:$0x0];
	s2 =	stileid.u32  }
0x45: {  	s1 =	rddreg [dreg:$0x1];
	p0 =	sne.s32 s2, $0x0  }
0x46: {  	s3 =	rddreg [dreg:$0x2];
	[bflag:$0x3] =	sbarrier.arrive $0xFFFF;
	s2 =	simm.s32 @!p0 $0x1C01  }
0x47: {  	[timem:s3], [sflag:s2] =	dma.local @!p0 [hbm:s0], s1  }
0x48: {  	s0 =	simm.s32 @!p0 $0x1  }
0x49: {  	_ =	swait.ge @!p0 [sflag:s0], s1  }
0x4a: {  	s1 =	ssub.s32 @!p0 $0x0, s1;
	[sflag:s0] =	ssyncset.done @!p0 $0x0  }
0x4b: {  	[sflag:s0] =	ssyncadd.s32 @!p0 s1  }
0x4c: {  	[bflag:$0x3] =	sbarrier.arrive $0xFFFF  }
0x4d: {  	_ =	shalt  }

</sc_bundles>
